<compile_context>
chip_gen: v7x
topology: tpu7x:2x2x1
jax: 0.10.2.dev20260603
libtpu: 0.0.44.dev20260713+nightly
codegen_flags: <defaults>
</compile_context>

<pallas_src>
import functools

import jax
import jax.numpy as jnp
from jax import lax
from jax.experimental import pallas as pl
from jax.experimental.pallas import tpu as pltpu
from jax.experimental.pallas import tpu_sc as plsc

N_NODES = 10000
NP = 10112
E_PAD = 163840
CHUNK = 128
ROWS_PER_TILE = NP // 16
D_IN = 256
D_HID = 256
D_HALF = 128
DEGW = 8
DW2 = 128

_MESH = plsc.VectorSubcoreMesh(core_axis_name="c", subcore_axis_name="s")



@functools.partial(
    pl.kernel,
    out_type=jax.ShapeDtypeStruct((2, NP, DEGW), jnp.float32),
    mesh=_MESH,
    scratch_types=[
        pltpu.VMEM((40, CHUNK), jnp.int32),
        pltpu.VMEM((CHUNK, DEGW), jnp.float32),
        pltpu.MemorySpace.VMEM_SHARED((NP, DEGW), jnp.float32),
    ],
)
def _sc_degree(dst_hbm, ones_hbm, zeros_hbm, out_hbm, dstv, onesv, acc):
    c = lax.axis_index("c")
    s = lax.axis_index("s")
    wid = s * 2 + c
    rows = pl.ds(s * ROWS_PER_TILE, ROWS_PER_TILE)
    pltpu.sync_copy(dst_hbm.at[wid], dstv)
    pltpu.sync_copy(ones_hbm, onesv)
    pltpu.sync_copy(zeros_hbm.at[rows], acc.at[rows])
    plsc.subcore_barrier()

    def body(j, carry):
        pltpu.sync_copy(onesv, acc.at[dstv.at[j]], add=True)
        return carry

    lax.fori_loop(0, 40, body, 0)
    plsc.subcore_barrier()

    @pl.when(c == 0)
    def _():
        pltpu.sync_copy(acc.at[rows], out_hbm.at[0].at[rows])

    @pl.when(c == 1)
    def _():
        pltpu.sync_copy(acc.at[rows], out_hbm.at[1].at[rows])


@functools.partial(
    pl.kernel,
    out_type=jax.ShapeDtypeStruct((2, NP, D_HALF), jnp.float32),
    mesh=_MESH,
    scratch_types=[
        pltpu.VMEM((80, CHUNK), jnp.int32),
        pltpu.VMEM((80, CHUNK), jnp.int32),
        pltpu.VMEM((CHUNK, D_HALF), jnp.float32),
        pltpu.MemorySpace.VMEM_SHARED((NP, D_HALF), jnp.float32),
    ],
)
def _sc_agg_wide(g1_hbm, src_hbm, dst_hbm, out_hbm, srcv, dstv, gbuf, acc):
    c = lax.axis_index("c")
    s = lax.axis_index("s")
    rows = pl.ds(s * ROWS_PER_TILE, ROWS_PER_TILE)
    pltpu.sync_copy(src_hbm.at[s], srcv)
    pltpu.sync_copy(dst_hbm.at[s], dstv)

    @pl.when(c == 0)
    def _():
        pltpu.sync_copy(g1_hbm.at[0].at[rows], acc.at[rows])

    @pl.when(c == 1)
    def _():
        pltpu.sync_copy(g1_hbm.at[1].at[rows], acc.at[rows])

    plsc.subcore_barrier()

    def body(j, carry):
        @pl.when(c == 0)
        def _():
            pltpu.sync_copy(g1_hbm.at[0].at[srcv.at[j]], gbuf)

        @pl.when(c == 1)
        def _():
            pltpu.sync_copy(g1_hbm.at[1].at[srcv.at[j]], gbuf)

        pltpu.sync_copy(gbuf, acc.at[dstv.at[j]], add=True)
        return carry

    lax.fori_loop(0, 80, body, 0)
    plsc.subcore_barrier()

    @pl.when(c == 0)
    def _():
        pltpu.sync_copy(acc.at[rows], out_hbm.at[0].at[rows])

    @pl.when(c == 1)
    def _():
        pltpu.sync_copy(acc.at[rows], out_hbm.at[1].at[rows])


@functools.partial(
    pl.kernel,
    out_type=jax.ShapeDtypeStruct((2, NP, DW2), jnp.float32),
    mesh=_MESH,
    scratch_types=[
        pltpu.VMEM((40, CHUNK), jnp.int32),
        pltpu.VMEM((40, CHUNK), jnp.int32),
        pltpu.VMEM((CHUNK, DW2), jnp.float32),
        pltpu.MemorySpace.VMEM_SHARED((NP, DW2), jnp.float32),
    ],
)
def _sc_agg_narrow(g2_hbm, src_hbm, dst_hbm, zeros_hbm, out_hbm,
                   srcv, dstv, gbuf, acc):
    c = lax.axis_index("c")
    s = lax.axis_index("s")
    wid = s * 2 + c
    rows = pl.ds(s * ROWS_PER_TILE, ROWS_PER_TILE)
    pltpu.sync_copy(src_hbm.at[wid], srcv)
    pltpu.sync_copy(dst_hbm.at[wid], dstv)

    @pl.when(c == 0)
    def _():
        pltpu.sync_copy(g2_hbm.at[rows], acc.at[rows])

    @pl.when(c == 1)
    def _():
        pltpu.sync_copy(zeros_hbm.at[rows], acc.at[rows])

    plsc.subcore_barrier()

    def body(j, carry):
        pltpu.sync_copy(g2_hbm.at[srcv.at[j]], gbuf)
        pltpu.sync_copy(gbuf, acc.at[dstv.at[j]], add=True)
        return carry

    lax.fori_loop(0, 40, body, 0)
    plsc.subcore_barrier()

    @pl.when(c == 0)
    def _():
        pltpu.sync_copy(acc.at[rows], out_hbm.at[0].at[rows])

    @pl.when(c == 1)
    def _():
        pltpu.sync_copy(acc.at[rows], out_hbm.at[1].at[rows])



_BLK = 2528
_GRID = NP // _BLK


def _tc_prep_body(x_ref, w1_ref, degp_ref, g1_ref, ds_ref):
    h = jnp.dot(x_ref[...], w1_ref[...])
    deg = degp_ref[0, :, 0] + degp_ref[1, :, 0] + 1.0
    ds = lax.rsqrt(deg)
    g = h * ds[:, None]
    g1_ref[0] = g[:, :D_HALF]
    g1_ref[1] = g[:, D_HALF:]
    ds_ref[...] = jnp.broadcast_to(ds[:, None], (_BLK, DEGW))


def _tc_prep(x, W1, degp):
    return pl.pallas_call(
        _tc_prep_body,
        grid=(_GRID,),
        in_specs=[
            pl.BlockSpec((_BLK, D_IN), lambda i: (i, 0)),
            pl.BlockSpec((D_IN, D_HID), lambda i: (0, 0)),
            pl.BlockSpec((2, _BLK, DEGW), lambda i: (0, i, 0)),
        ],
        out_specs=[
            pl.BlockSpec((2, _BLK, D_HALF), lambda i: (0, i, 0)),
            pl.BlockSpec((_BLK, DEGW), lambda i: (i, 0)),
        ],
        out_shape=[
            jax.ShapeDtypeStruct((2, NP, D_HALF), jnp.float32),
            jax.ShapeDtypeStruct((NP, DEGW), jnp.float32),
        ],
    )(x, W1, degp)


def _tc_mid_body(acc_ref, ds_ref, b1_ref, w3_ref, g2_ref):
    acc = jnp.concatenate([acc_ref[0], acc_ref[1]], axis=1)
    ds = ds_ref[:, 0]
    p = jax.nn.relu(acc * ds[:, None] + b1_ref[...])
    g2_ref[...] = jnp.dot(p, w3_ref[...]) * ds[:, None]


def _tc_mid(acc1, ds8, b1, W3pad):
    return pl.pallas_call(
        _tc_mid_body,
        grid=(_GRID,),
        in_specs=[
            pl.BlockSpec((2, _BLK, D_HALF), lambda i: (0, i, 0)),
            pl.BlockSpec((_BLK, DEGW), lambda i: (i, 0)),
            pl.BlockSpec((1, D_HID), lambda i: (0, 0)),
            pl.BlockSpec((D_HID, DW2), lambda i: (0, 0)),
        ],
        out_specs=pl.BlockSpec((_BLK, DW2), lambda i: (i, 0)),
        out_shape=jax.ShapeDtypeStruct((NP, DW2), jnp.float32),
    )(acc1, ds8, b1, W3pad)


def _tc_final_body(accp_ref, ds_ref, b3_ref, out_ref):
    tot = accp_ref[0] + accp_ref[1]
    ds = ds_ref[:, 0]
    out_ref[...] = jax.nn.relu(tot * ds[:, None] + b3_ref[...])


def _tc_final(acc2p, ds8, b3pad):
    return pl.pallas_call(
        _tc_final_body,
        grid=(_GRID,),
        in_specs=[
            pl.BlockSpec((2, _BLK, DW2), lambda i: (0, i, 0)),
            pl.BlockSpec((_BLK, DEGW), lambda i: (i, 0)),
            pl.BlockSpec((1, DW2), lambda i: (0, 0)),
        ],
        out_specs=pl.BlockSpec((_BLK, DW2), lambda i: (i, 0)),
        out_shape=jax.ShapeDtypeStruct((NP, DW2), jnp.float32),
    )(acc2p, ds8, b3pad)



def kernel(x, edge_index, W1, b1, W3, b3):
    src = edge_index[0].astype(jnp.int32)
    dst = edge_index[1].astype(jnp.int32)
    npad = E_PAD - src.shape[0]
    src_p = jnp.concatenate([src, jnp.zeros((npad,), jnp.int32)])
    dst_p = jnp.concatenate([dst, jnp.full((npad,), N_NODES, jnp.int32)])
    src16 = src_p.reshape(16, 80, CHUNK)
    dst16 = dst_p.reshape(16, 80, CHUNK)
    src32 = src_p.reshape(32, 40, CHUNK)
    dst32 = dst_p.reshape(32, 40, CHUNK)

    x_p = jnp.pad(x, ((0, NP - N_NODES), (0, 0)))
    ones8 = jnp.ones((CHUNK, DEGW), jnp.float32)
    zeros8 = jnp.zeros((NP, DEGW), jnp.float32)
    zeros128 = jnp.zeros((NP, DW2), jnp.float32)
    W3pad = jnp.pad(W3, ((0, 0), (0, DW2 - W3.shape[1])))
    b1r = b1.reshape(1, D_HID)
    b3pad = jnp.pad(b3, (0, DW2 - b3.shape[0])).reshape(1, DW2)

    degp = _sc_degree(dst32, ones8, zeros8)
    g1, ds8 = _tc_prep(x_p, W1, degp)
    acc1 = _sc_agg_wide(g1, src16, dst16)
    g2 = _tc_mid(acc1, ds8, b1r, W3pad)
    acc2p = _sc_agg_narrow(g2, src32, dst32, zeros128)
    outp = _tc_final(acc2p, ds8, b3pad)
    return outp[:N_NODES, :2]

# --- scband reference (transcript-rebuilt; emitter-appended) ---
"""Pipeline reference for scband-gcnbinary-node-classifier-39505109189262 (READ-ONLY COPY).

The authoritative reference and input builder live on the scoring server;
editing this copy changes nothing except your own understanding.
"""

import jax, jax.numpy as jnp
import numpy as np

N_NODES = 10000
N_EDGES = 160000
D_IN = 256
D_HID_HALF = 256  # hidden_dim // 2
N_CLASSES = 2


def gcn_conv(x, edge_index, W, b):
    # Faithful PyG GCNConv: add self-loops, symmetric normalization,
    # linear transform first, then normalized sum aggregation, then bias.
    N = x.shape[0]
    loop = jnp.arange(N, dtype=edge_index.dtype)
    src = jnp.concatenate([edge_index[0], loop])
    dst = jnp.concatenate([edge_index[1], loop])
    h = x @ W
    deg = jnp.zeros((N,), dtype=h.dtype).at[dst].add(1.0)
    deg_inv_sqrt = jnp.where(deg > 0, deg ** -0.5, 0.0)
    norm = deg_inv_sqrt[src] * deg_inv_sqrt[dst]
    msgs = h[src] * norm[:, None]
    out = jnp.zeros((N, h.shape[1]), dtype=h.dtype).at[dst].add(msgs)
    return out + b


def setup_inputs(seed: int = 0) -> dict:
    key = jax.random.key(seed)
    k1, k2, k3, k4 = jax.random.split(key, 4)
    x = jax.random.normal(k1, (N_NODES, D_IN), dtype=jnp.float32)
    edge_index = jax.random.randint(k2, (2, N_EDGES), 0, N_NODES, dtype=jnp.int64)
    # conv1: input_dim -> hidden_dim // 2 ; conv3: hidden_dim // 2 -> num_classes
    W1 = jax.random.normal(k3, (D_IN, D_HID_HALF), dtype=jnp.float32) * (2.0 / D_IN) ** 0.5
    b1 = jnp.zeros((D_HID_HALF,), dtype=jnp.float32)
    W3 = jax.random.normal(k4, (D_HID_HALF, N_CLASSES), dtype=jnp.float32) * (2.0 / D_HID_HALF) ** 0.5
    b3 = jnp.zeros((N_CLASSES,), dtype=jnp.float32)
    return {"x": x, "edge_index": edge_index, "W1": W1, "b1": b1, "W3": W3, "b3": b3}


def reference(x, edge_index, W1, b1, W3, b3):
    # conv1 -> relu -> dropout(eval: identity) -> conv3 -> relu -> dropout(identity)
    h = gcn_conv(x, edge_index, W1, b1)
    h = jax.nn.relu(h)
    out = gcn_conv(h, edge_index, W3, b3)
    out = jax.nn.relu(out)
    return out

if __name__ == "__main__":
    import jax
    _d = setup_inputs()
    print(jax.jit(kernel)(*tuple(_d.values())))

</pallas_src>

<mosaic_0001>
#map = affine_map<(d0, d1) -> (0, 0, 0)>
#map1 = affine_map<(d0, d1) -> (0, 0)>
module attributes {stable_mosaic.version = 14 : i64} {
  func.func @_sc_degree(%arg0: i32, %arg1: i32, %arg2: memref<32x40x128xi32, #tpu.memory_space<hbm>>, %arg3: memref<128x8xf32, #tpu.memory_space<hbm>>, %arg4: memref<10112x8xf32, #tpu.memory_space<hbm>>, %arg5: memref<2x10112x8xf32, #tpu.memory_space<hbm>>, %arg6: memref<40x128xi32, #tpu.memory_space<vmem>>, %arg7: memref<128x8xf32, #tpu.memory_space<vmem>>, %arg8: memref<10112x8xf32, #tpu.memory_space<vmem_shared>>) attributes {dimension_semantics = [#tpu.dimension_semantics<core_parallel>, #tpu.dimension_semantics<subcore_parallel>], iteration_bounds = array<i64: 2, 16>, scalar_prefetch = 0 : i64, scratch_operands = 3 : i64, tpu.core_type = #tpu.core_type<sc_vector_subcore>, window_params = [{transform_indices = #map}, {transform_indices = #map1}, {transform_indices = #map1}, {transform_indices = #map}]} {
    %mul3A = arith.constant 2 : i32
    %mul3A_0 = arith.muli %arg1, %mul3A : i32
    %add3A = arith.addi %mul3A_0, %arg0 : i32
    %mul3A_1 = arith.constant 632 : i32
    %mul3A_2 = arith.muli %arg1, %mul3A_1 : i32
    "tpu.region"() ({
      %run_scoped3A = tpu.sem_alloc : memref<!tpu.dma_semaphore, #tpu.memory_space<semaphore_mem>>
      %dma_start3A = arith.constant 0 : i32
      %dma_start3A_16 = arith.constant 0 : i32
      %dma_start3A_17 = tpu.memref_slice %arg2[%add3A, %dma_start3A, %dma_start3A_16] : memref<32x40x128xi32, #tpu.memory_space<hbm>> -> memref<1x40x128xi32, #tpu.memory_space<hbm>>
      %dma_start3A_18 = tpu.memref_squeeze %dma_start3A_17 : memref<1x40x128xi32, #tpu.memory_space<hbm>> -> memref<40x128xi32, #tpu.memory_space<hbm>>
      %dma_start3A_19 = arith.constant 0 : i32
      %dma_start3A_20 = arith.constant 0 : i32
      %dma_start3A_21 = tpu.memref_slice %arg2[%add3A, %dma_start3A_19, %dma_start3A_20] : memref<32x40x128xi32, #tpu.memory_space<hbm>> -> memref<1x40x128xi32, #tpu.memory_space<hbm>>
      %dma_start3A_22 = tpu.memref_squeeze %dma_start3A_21 : memref<1x40x128xi32, #tpu.memory_space<hbm>> -> memref<40x128xi32, #tpu.memory_space<hbm>>
      tpu.enqueue_dma source(%dma_start3A_22 : memref<40x128xi32, #tpu.memory_space<hbm>>) target(%arg6 : memref<40x128xi32, #tpu.memory_space<vmem>>) target_semaphore(%run_scoped3A : memref<!tpu.dma_semaphore, #tpu.memory_space<semaphore_mem>>)
      %dma_wait3A = arith.constant 0 : i32
      %dma_wait3A_23 = arith.constant 0 : i32
      %dma_wait3A_24 = tpu.memref_slice %arg2[%add3A, %dma_wait3A, %dma_wait3A_23] : memref<32x40x128xi32, #tpu.memory_space<hbm>> -> memref<1x40x128xi32, #tpu.memory_space<hbm>>
      %dma_wait3A_25 = tpu.memref_squeeze %dma_wait3A_24 : memref<1x40x128xi32, #tpu.memory_space<hbm>> -> memref<40x128xi32, #tpu.memory_space<hbm>>
      %dma_wait3A_26 = arith.constant 0 : i32
      %dma_wait3A_27 = arith.constant 0 : i32
      %dma_wait3A_28 = tpu.memref_slice %arg2[%add3A, %dma_wait3A_26, %dma_wait3A_27] : memref<32x40x128xi32, #tpu.memory_space<hbm>> -> memref<1x40x128xi32, #tpu.memory_space<hbm>>
      %dma_wait3A_29 = tpu.memref_squeeze %dma_wait3A_28 : memref<1x40x128xi32, #tpu.memory_space<hbm>> -> memref<40x128xi32, #tpu.memory_space<hbm>>
      tpu.wait_dma2 semaphore(%run_scoped3A : memref<!tpu.dma_semaphore, #tpu.memory_space<semaphore_mem>>) src(%dma_wait3A_29 : memref<40x128xi32, #tpu.memory_space<hbm>>) dst(%arg6 : memref<40x128xi32, #tpu.memory_space<vmem>>)
      tpu.yield
    }) : () -> ()
    "tpu.region"() ({
      %run_scoped3A = tpu.sem_alloc : memref<!tpu.dma_semaphore, #tpu.memory_space<semaphore_mem>>
      tpu.enqueue_dma source(%arg3 : memref<128x8xf32, #tpu.memory_space<hbm>>) target(%arg7 : memref<128x8xf32, #tpu.memory_space<vmem>>) target_semaphore(%run_scoped3A : memref<!tpu.dma_semaphore, #tpu.memory_space<semaphore_mem>>)
      tpu.wait_dma2 semaphore(%run_scoped3A : memref<!tpu.dma_semaphore, #tpu.memory_space<semaphore_mem>>) src(%arg3 : memref<128x8xf32, #tpu.memory_space<hbm>>) dst(%arg7 : memref<128x8xf32, #tpu.memory_space<vmem>>)
      tpu.yield
    }) : () -> ()
    "tpu.region"() ({
      %run_scoped3A = tpu.sem_alloc : memref<!tpu.dma_semaphore, #tpu.memory_space<semaphore_mem>>
      %dma_start3A = arith.constant 0 : i32
      %dma_start3A_16 = tpu.memref_slice %arg8[%mul3A_2, %dma_start3A] : memref<10112x8xf32, #tpu.memory_space<vmem_shared>> -> memref<632x8xf32, #tpu.memory_space<vmem_shared>>
      %dma_start3A_17 = arith.constant 0 : i32
      %dma_start3A_18 = tpu.memref_slice %arg4[%mul3A_2, %dma_start3A_17] : memref<10112x8xf32, #tpu.memory_space<hbm>> -> memref<632x8xf32, #tpu.memory_space<hbm>>
      tpu.enqueue_dma source(%dma_start3A_18 : memref<632x8xf32, #tpu.memory_space<hbm>>) target(%dma_start3A_16 : memref<632x8xf32, #tpu.memory_space<vmem_shared>>) target_semaphore(%run_scoped3A : memref<!tpu.dma_semaphore, #tpu.memory_space<semaphore_mem>>)
      %dma_wait3A = arith.constant 0 : i32
      %dma_wait3A_19 = tpu.memref_slice %arg8[%mul3A_2, %dma_wait3A] : memref<10112x8xf32, #tpu.memory_space<vmem_shared>> -> memref<632x8xf32, #tpu.memory_space<vmem_shared>>
      %dma_wait3A_20 = arith.constant 0 : i32
      %dma_wait3A_21 = tpu.memref_slice %arg4[%mul3A_2, %dma_wait3A_20] : memref<10112x8xf32, #tpu.memory_space<hbm>> -> memref<632x8xf32, #tpu.memory_space<hbm>>
      tpu.wait_dma2 semaphore(%run_scoped3A : memref<!tpu.dma_semaphore, #tpu.memory_space<semaphore_mem>>) src(%dma_wait3A_21 : memref<632x8xf32, #tpu.memory_space<hbm>>) dst(%dma_wait3A_19 : memref<632x8xf32, #tpu.memory_space<vmem_shared>>)
      tpu.yield
    }) : () -> ()
    %barrier3A = arith.constant 0 : index
    tpu.barrier barrier_id(%barrier3A)
    %scan3A = arith.constant 0 : i32
    %scan3A_3 = arith.constant 0 : i32
    %scan3A_4 = arith.constant 40 : i32
    %scan3A_5 = arith.addi %scan3A_3, %scan3A_4 : i32
    %scan3A_6 = arith.constant 1 : i32
    scf.for %scan3A_16 = %scan3A_3 to %scan3A_5 step %scan3A_6  : i32 {
      "tpu.region"() ({
        %run_scoped3A = tpu.sem_alloc : memref<!tpu.dma_semaphore, #tpu.memory_space<semaphore_mem>>
        %dma_start3A = arith.constant 0 : i32
        %dma_start3A_17 = tpu.memref_slice %arg6[%scan3A_16, %dma_start3A] : memref<40x128xi32, #tpu.memory_space<vmem>> -> memref<1x128xi32, #tpu.memory_space<vmem>>
        %dma_start3A_18 = tpu.memref_squeeze %dma_start3A_17 : memref<1x128xi32, #tpu.memory_space<vmem>> -> memref<128xi32, #tpu.memory_space<vmem>>
        %dma_start3A_19 = arith.constant 0 : i32
        %dma_start3A_20 = arith.constant 0 : i32
        %dma_start3A_21 = tpu.memref_slice %arg8[%dma_start3A_19, %dma_start3A_20] : memref<10112x8xf32, #tpu.memory_space<vmem_shared>> -> memref<10112x8xf32, #tpu.memory_space<vmem_shared>>
        tpu.enqueue_indirect_dma source(%arg7 : memref<128x8xf32, #tpu.memory_space<vmem>>) target(%dma_start3A_21 : memref<10112x8xf32, #tpu.memory_space<vmem_shared>>) offsets(%dma_start3A_18 : memref<128xi32, #tpu.memory_space<vmem>>) semaphore(%run_scoped3A : memref<!tpu.dma_semaphore, #tpu.memory_space<semaphore_mem>>) {add = true}
        %dma_wait3A = arith.constant 0 : i32
        %dma_wait3A_22 = tpu.memref_slice %arg6[%scan3A_16, %dma_wait3A] : memref<40x128xi32, #tpu.memory_space<vmem>> -> memref<1x128xi32, #tpu.memory_space<vmem>>
        %dma_wait3A_23 = tpu.memref_squeeze %dma_wait3A_22 : memref<1x128xi32, #tpu.memory_space<vmem>> -> memref<128xi32, #tpu.memory_space<vmem>>
        %dma_wait3A_24 = arith.constant 0 : i32
        %dma_wait3A_25 = arith.constant 0 : i32
        %dma_wait3A_26 = tpu.memref_slice %arg8[%dma_wait3A_24, %dma_wait3A_25] : memref<10112x8xf32, #tpu.memory_space<vmem_shared>> -> memref<10112x8xf32, #tpu.memory_space<vmem_shared>>
        tpu.wait_indirect_dma semaphore(%run_scoped3A : memref<!tpu.dma_semaphore, #tpu.memory_space<semaphore_mem>>) src(%arg7 : memref<128x8xf32, #tpu.memory_space<vmem>>) dst(%dma_wait3A_26 : memref<10112x8xf32, #tpu.memory_space<vmem_shared>>)
        tpu.yield
      }) : () -> ()
    }
    %scan3A_7 = arith.constant 40 : i32
    %barrier3A_8 = arith.constant 0 : index
    tpu.barrier barrier_id(%barrier3A_8)
    %eq3A = arith.constant 0 : i32
    %eq3A_9 = arith.cmpi eq, %arg0, %eq3A : i32
    %convert_element_type3A = arith.extui %eq3A_9 : i1 to i32
    %cond3A = arith.constant 0 : i32
    %cond3A_10 = arith.cmpi ne, %convert_element_type3A, %cond3A : i32
    scf.if %cond3A_10 {
      %run_scoped3A = arith.constant 0 : i32
      "tpu.region"() ({
        %run_scoped3A_16 = tpu.sem_alloc : memref<!tpu.dma_semaphore, #tpu.memory_space<semaphore_mem>>
        %dma_start3A = arith.constant 0 : i32
        %dma_start3A_17 = arith.constant 0 : i32
        %dma_start3A_18 = tpu.memref_slice %arg5[%run_scoped3A, %dma_start3A, %dma_start3A_17] : memref<2x10112x8xf32, #tpu.memory_space<hbm>> -> memref<1x10112x8xf32, #tpu.memory_space<hbm>>
        %dma_start3A_19 = tpu.memref_squeeze %dma_start3A_18 : memref<1x10112x8xf32, #tpu.memory_space<hbm>> -> memref<10112x8xf32, #tpu.memory_space<hbm>>
        %dma_start3A_20 = arith.constant 0 : i32
        %dma_start3A_21 = tpu.memref_slice %dma_start3A_19[%mul3A_2, %dma_start3A_20] : memref<10112x8xf32, #tpu.memory_space<hbm>> -> memref<632x8xf32, #tpu.memory_space<hbm>>
        %dma_start3A_22 = arith.constant 0 : i32
        %dma_start3A_23 = tpu.memref_slice %arg8[%mul3A_2, %dma_start3A_22] : memref<10112x8xf32, #tpu.memory_space<vmem_shared>> -> memref<632x8xf32, #tpu.memory_space<vmem_shared>>
        tpu.enqueue_dma source(%dma_start3A_23 : memref<632x8xf32, #tpu.memory_space<vmem_shared>>) target(%dma_start3A_21 : memref<632x8xf32, #tpu.memory_space<hbm>>) target_semaphore(%run_scoped3A_16 : memref<!tpu.dma_semaphore, #tpu.memory_space<semaphore_mem>>)
        %dma_wait3A = arith.constant 0 : i32
        %dma_wait3A_24 = arith.constant 0 : i32
        %dma_wait3A_25 = tpu.memref_slice %arg5[%run_scoped3A, %dma_wait3A, %dma_wait3A_24] : memref<2x10112x8xf32, #tpu.memory_space<hbm>> -> memref<1x10112x8xf32, #tpu.memory_space<hbm>>
        %dma_wait3A_26 = tpu.memref_squeeze %dma_wait3A_25 : memref<1x10112x8xf32, #tpu.memory_space<hbm>> -> memref<10112x8xf32, #tpu.memory_space<hbm>>
        %dma_wait3A_27 = arith.constant 0 : i32
        %dma_wait3A_28 = tpu.memref_slice %dma_wait3A_26[%mul3A_2, %dma_wait3A_27] : memref<10112x8xf32, #tpu.memory_space<hbm>> -> memref<632x8xf32, #tpu.memory_space<hbm>>
        %dma_wait3A_29 = arith.constant 0 : i32
        %dma_wait3A_30 = tpu.memref_slice %arg8[%mul3A_2, %dma_wait3A_29] : memref<10112x8xf32, #tpu.memory_space<vmem_shared>> -> memref<632x8xf32, #tpu.memory_space<vmem_shared>>
        tpu.wait_dma2 semaphore(%run_scoped3A_16 : memref<!tpu.dma_semaphore, #tpu.memory_space<semaphore_mem>>) src(%dma_wait3A_30 : memref<632x8xf32, #tpu.memory_space<vmem_shared>>) dst(%dma_wait3A_28 : memref<632x8xf32, #tpu.memory_space<hbm>>)
        tpu.yield
      }) : () -> ()
    } else {
    }
    %eq3A_11 = arith.constant 1 : i32
    %eq3A_12 = arith.cmpi eq, %arg0, %eq3A_11 : i32
    %convert_element_type3A_13 = arith.extui %eq3A_12 : i1 to i32
    %cond3A_14 = arith.constant 0 : i32
    %cond3A_15 = arith.cmpi ne, %convert_element_type3A_13, %cond3A_14 : i32
    scf.if %cond3A_15 {
      %run_scoped3A = arith.constant 1 : i32
      "tpu.region"() ({
        %run_scoped3A_16 = tpu.sem_alloc : memref<!tpu.dma_semaphore, #tpu.memory_space<semaphore_mem>>
        %dma_start3A = arith.constant 0 : i32
        %dma_start3A_17 = arith.constant 0 : i32
        %dma_start3A_18 = tpu.memref_slice %arg5[%run_scoped3A, %dma_start3A, %dma_start3A_17] : memref<2x10112x8xf32, #tpu.memory_space<hbm>> -> memref<1x10112x8xf32, #tpu.memory_space<hbm>>
        %dma_start3A_19 = tpu.memref_squeeze %dma_start3A_18 : memref<1x10112x8xf32, #tpu.memory_space<hbm>> -> memref<10112x8xf32, #tpu.memory_space<hbm>>
        %dma_start3A_20 = arith.constant 0 : i32
        %dma_start3A_21 = tpu.memref_slice %dma_start3A_19[%mul3A_2, %dma_start3A_20] : memref<10112x8xf32, #tpu.memory_space<hbm>> -> memref<632x8xf32, #tpu.memory_space<hbm>>
        %dma_start3A_22 = arith.constant 0 : i32
        %dma_start3A_23 = tpu.memref_slice %arg8[%mul3A_2, %dma_start3A_22] : memref<10112x8xf32, #tpu.memory_space<vmem_shared>> -> memref<632x8xf32, #tpu.memory_space<vmem_shared>>
        tpu.enqueue_dma source(%dma_start3A_23 : memref<632x8xf32, #tpu.memory_space<vmem_shared>>) target(%dma_start3A_21 : memref<632x8xf32, #tpu.memory_space<hbm>>) target_semaphore(%run_scoped3A_16 : memref<!tpu.dma_semaphore, #tpu.memory_space<semaphore_mem>>)
        %dma_wait3A = arith.constant 0 : i32
        %dma_wait3A_24 = arith.constant 0 : i32
        %dma_wait3A_25 = tpu.memref_slice %arg5[%run_scoped3A, %dma_wait3A, %dma_wait3A_24] : memref<2x10112x8xf32, #tpu.memory_space<hbm>> -> memref<1x10112x8xf32, #tpu.memory_space<hbm>>
        %dma_wait3A_26 = tpu.memref_squeeze %dma_wait3A_25 : memref<1x10112x8xf32, #tpu.memory_space<hbm>> -> memref<10112x8xf32, #tpu.memory_space<hbm>>
        %dma_wait3A_27 = arith.constant 0 : i32
        %dma_wait3A_28 = tpu.memref_slice %dma_wait3A_26[%mul3A_2, %dma_wait3A_27] : memref<10112x8xf32, #tpu.memory_space<hbm>> -> memref<632x8xf32, #tpu.memory_space<hbm>>
        %dma_wait3A_29 = arith.constant 0 : i32
        %dma_wait3A_30 = tpu.memref_slice %arg8[%mul3A_2, %dma_wait3A_29] : memref<10112x8xf32, #tpu.memory_space<vmem_shared>> -> memref<632x8xf32, #tpu.memory_space<vmem_shared>>
        tpu.wait_dma2 semaphore(%run_scoped3A_16 : memref<!tpu.dma_semaphore, #tpu.memory_space<semaphore_mem>>) src(%dma_wait3A_30 : memref<632x8xf32, #tpu.memory_space<vmem_shared>>) dst(%dma_wait3A_28 : memref<632x8xf32, #tpu.memory_space<hbm>>)
        tpu.yield
      }) : () -> ()
    } else {
    }
    return
  }
}

#map = affine_map<(d0, d1) -> (0, 0, 0)>
module attributes {stable_mosaic.version = 14 : i64} {
  func.func @_sc_agg_wide(%arg0: i32, %arg1: i32, %arg2: memref<2x10112x128xf32, #tpu.memory_space<hbm>>, %arg3: memref<16x80x128xi32, #tpu.memory_space<hbm>>, %arg4: memref<16x80x128xi32, #tpu.memory_space<hbm>>, %arg5: memref<2x10112x128xf32, #tpu.memory_space<hbm>>, %arg6: memref<80x128xi32, #tpu.memory_space<vmem>>, %arg7: memref<80x128xi32, #tpu.memory_space<vmem>>, %arg8: memref<128x128xf32, #tpu.memory_space<vmem>>, %arg9: memref<10112x128xf32, #tpu.memory_space<vmem_shared>>) attributes {dimension_semantics = [#tpu.dimension_semantics<core_parallel>, #tpu.dimension_semantics<subcore_parallel>], iteration_bounds = array<i64: 2, 16>, scalar_prefetch = 0 : i64, scratch_operands = 4 : i64, tpu.core_type = #tpu.core_type<sc_vector_subcore>, window_params = [{transform_indices = #map}, {transform_indices = #map}, {transform_indices = #map}, {transform_indices = #map}]} {
    %mul3A = arith.constant 632 : i32
    %mul3A_0 = arith.muli %arg1, %mul3A : i32
    "tpu.region"() ({
      %run_scoped3A = tpu.sem_alloc : memref<!tpu.dma_semaphore, #tpu.memory_space<semaphore_mem>>
      %dma_start3A = arith.constant 0 : i32
      %dma_start3A_24 = arith.constant 0 : i32
      %dma_start3A_25 = tpu.memref_slice %arg3[%arg1, %dma_start3A, %dma_start3A_24] : memref<16x80x128xi32, #tpu.memory_space<hbm>> -> memref<1x80x128xi32, #tpu.memory_space<hbm>>
      %dma_start3A_26 = tpu.memref_squeeze %dma_start3A_25 : memref<1x80x128xi32, #tpu.memory_space<hbm>> -> memref<80x128xi32, #tpu.memory_space<hbm>>
      %dma_start3A_27 = arith.constant 0 : i32
      %dma_start3A_28 = arith.constant 0 : i32
      %dma_start3A_29 = tpu.memref_slice %arg3[%arg1, %dma_start3A_27, %dma_start3A_28] : memref<16x80x128xi32, #tpu.memory_space<hbm>> -> memref<1x80x128xi32, #tpu.memory_space<hbm>>
      %dma_start3A_30 = tpu.memref_squeeze %dma_start3A_29 : memref<1x80x128xi32, #tpu.memory_space<hbm>> -> memref<80x128xi32, #tpu.memory_space<hbm>>
      tpu.enqueue_dma source(%dma_start3A_30 : memref<80x128xi32, #tpu.memory_space<hbm>>) target(%arg6 : memref<80x128xi32, #tpu.memory_space<vmem>>) target_semaphore(%run_scoped3A : memref<!tpu.dma_semaphore, #tpu.memory_space<semaphore_mem>>)
      %dma_wait3A = arith.constant 0 : i32
      %dma_wait3A_31 = arith.constant 0 : i32
      %dma_wait3A_32 = tpu.memref_slice %arg3[%arg1, %dma_wait3A, %dma_wait3A_31] : memref<16x80x128xi32, #tpu.memory_space<hbm>> -> memref<1x80x128xi32, #tpu.memory_space<hbm>>
      %dma_wait3A_33 = tpu.memref_squeeze %dma_wait3A_32 : memref<1x80x128xi32, #tpu.memory_space<hbm>> -> memref<80x128xi32, #tpu.memory_space<hbm>>
      %dma_wait3A_34 = arith.constant 0 : i32
      %dma_wait3A_35 = arith.constant 0 : i32
      %dma_wait3A_36 = tpu.memref_slice %arg3[%arg1, %dma_wait3A_34, %dma_wait3A_35] : memref<16x80x128xi32, #tpu.memory_space<hbm>> -> memref<1x80x128xi32, #tpu.memory_space<hbm>>
      %dma_wait3A_37 = tpu.memref_squeeze %dma_wait3A_36 : memref<1x80x128xi32, #tpu.memory_space<hbm>> -> memref<80x128xi32, #tpu.memory_space<hbm>>
      tpu.wait_dma2 semaphore(%run_scoped3A : memref<!tpu.dma_semaphore, #tpu.memory_space<semaphore_mem>>) src(%dma_wait3A_37 : memref<80x128xi32, #tpu.memory_space<hbm>>) dst(%arg6 : memref<80x128xi32, #tpu.memory_space<vmem>>)
      tpu.yield
    }) : () -> ()
    "tpu.region"() ({
      %run_scoped3A = tpu.sem_alloc : memref<!tpu.dma_semaphore, #tpu.memory_space<semaphore_mem>>
      %dma_start3A = arith.constant 0 : i32
      %dma_start3A_24 = arith.constant 0 : i32
      %dma_start3A_25 = tpu.memref_slice %arg4[%arg1, %dma_start3A, %dma_start3A_24] : memref<16x80x128xi32, #tpu.memory_space<hbm>> -> memref<1x80x128xi32, #tpu.memory_space<hbm>>
      %dma_start3A_26 = tpu.memref_squeeze %dma_start3A_25 : memref<1x80x128xi32, #tpu.memory_space<hbm>> -> memref<80x128xi32, #tpu.memory_space<hbm>>
      %dma_start3A_27 = arith.constant 0 : i32
      %dma_start3A_28 = arith.constant 0 : i32
      %dma_start3A_29 = tpu.memref_slice %arg4[%arg1, %dma_start3A_27, %dma_start3A_28] : memref<16x80x128xi32, #tpu.memory_space<hbm>> -> memref<1x80x128xi32, #tpu.memory_space<hbm>>
      %dma_start3A_30 = tpu.memref_squeeze %dma_start3A_29 : memref<1x80x128xi32, #tpu.memory_space<hbm>> -> memref<80x128xi32, #tpu.memory_space<hbm>>
      tpu.enqueue_dma source(%dma_start3A_30 : memref<80x128xi32, #tpu.memory_space<hbm>>) target(%arg7 : memref<80x128xi32, #tpu.memory_space<vmem>>) target_semaphore(%run_scoped3A : memref<!tpu.dma_semaphore, #tpu.memory_space<semaphore_mem>>)
      %dma_wait3A = arith.constant 0 : i32
      %dma_wait3A_31 = arith.constant 0 : i32
      %dma_wait3A_32 = tpu.memref_slice %arg4[%arg1, %dma_wait3A, %dma_wait3A_31] : memref<16x80x128xi32, #tpu.memory_space<hbm>> -> memref<1x80x128xi32, #tpu.memory_space<hbm>>
      %dma_wait3A_33 = tpu.memref_squeeze %dma_wait3A_32 : memref<1x80x128xi32, #tpu.memory_space<hbm>> -> memref<80x128xi32, #tpu.memory_space<hbm>>
      %dma_wait3A_34 = arith.constant 0 : i32
      %dma_wait3A_35 = arith.constant 0 : i32
      %dma_wait3A_36 = tpu.memref_slice %arg4[%arg1, %dma_wait3A_34, %dma_wait3A_35] : memref<16x80x128xi32, #tpu.memory_space<hbm>> -> memref<1x80x128xi32, #tpu.memory_space<hbm>>
      %dma_wait3A_37 = tpu.memref_squeeze %dma_wait3A_36 : memref<1x80x128xi32, #tpu.memory_space<hbm>> -> memref<80x128xi32, #tpu.memory_space<hbm>>
      tpu.wait_dma2 semaphore(%run_scoped3A : memref<!tpu.dma_semaphore, #tpu.memory_space<semaphore_mem>>) src(%dma_wait3A_37 : memref<80x128xi32, #tpu.memory_space<hbm>>) dst(%arg7 : memref<80x128xi32, #tpu.memory_space<vmem>>)
      tpu.yield
    }) : () -> ()
    %eq3A = arith.constant 0 : i32
    %eq3A_1 = arith.cmpi eq, %arg0, %eq3A : i32
    %convert_element_type3A = arith.extui %eq3A_1 : i1 to i32
    %cond3A = arith.constant 0 : i32
    %cond3A_2 = arith.cmpi ne, %convert_element_type3A, %cond3A : i32
    scf.if %cond3A_2 {
      %run_scoped3A = arith.constant 0 : i32
      "tpu.region"() ({
        %run_scoped3A_24 = tpu.sem_alloc : memref<!tpu.dma_semaphore, #tpu.memory_space<semaphore_mem>>
        %dma_start3A = arith.constant 0 : i32
        %dma_start3A_25 = tpu.memref_slice %arg9[%mul3A_0, %dma_start3A] : memref<10112x128xf32, #tpu.memory_space<vmem_shared>> -> memref<632x128xf32, #tpu.memory_space<vmem_shared>>
        %dma_start3A_26 = arith.constant 0 : i32
        %dma_start3A_27 = arith.constant 0 : i32
        %dma_start3A_28 = tpu.memref_slice %arg2[%run_scoped3A, %dma_start3A_26, %dma_start3A_27] : memref<2x10112x128xf32, #tpu.memory_space<hbm>> -> memref<1x10112x128xf32, #tpu.memory_space<hbm>>
        %dma_start3A_29 = tpu.memref_squeeze %dma_start3A_28 : memref<1x10112x128xf32, #tpu.memory_space<hbm>> -> memref<10112x128xf32, #tpu.memory_space<hbm>>
        %dma_start3A_30 = arith.constant 0 : i32
        %dma_start3A_31 = tpu.memref_slice %dma_start3A_29[%mul3A_0, %dma_start3A_30] : memref<10112x128xf32, #tpu.memory_space<hbm>> -> memref<632x128xf32, #tpu.memory_space<hbm>>
        tpu.enqueue_dma source(%dma_start3A_31 : memref<632x128xf32, #tpu.memory_space<hbm>>) target(%dma_start3A_25 : memref<632x128xf32, #tpu.memory_space<vmem_shared>>) target_semaphore(%run_scoped3A_24 : memref<!tpu.dma_semaphore, #tpu.memory_space<semaphore_mem>>)
        %dma_wait3A = arith.constant 0 : i32
        %dma_wait3A_32 = tpu.memref_slice %arg9[%mul3A_0, %dma_wait3A] : memref<10112x128xf32, #tpu.memory_space<vmem_shared>> -> memref<632x128xf32, #tpu.memory_space<vmem_shared>>
        %dma_wait3A_33 = arith.constant 0 : i32
        %dma_wait3A_34 = arith.constant 0 : i32
        %dma_wait3A_35 = tpu.memref_slice %arg2[%run_scoped3A, %dma_wait3A_33, %dma_wait3A_34] : memref<2x10112x128xf32, #tpu.memory_space<hbm>> -> memref<1x10112x128xf32, #tpu.memory_space<hbm>>
        %dma_wait3A_36 = tpu.memref_squeeze %dma_wait3A_35 : memref<1x10112x128xf32, #tpu.memory_space<hbm>> -> memref<10112x128xf32, #tpu.memory_space<hbm>>
        %dma_wait3A_37 = arith.constant 0 : i32
        %dma_wait3A_38 = tpu.memref_slice %dma_wait3A_36[%mul3A_0, %dma_wait3A_37] : memref<10112x128xf32, #tpu.memory_space<hbm>> -> memref<632x128xf32, #tpu.memory_space<hbm>>
        tpu.wait_dma2 semaphore(%run_scoped3A_24 : memref<!tpu.dma_semaphore, #tpu.memory_space<semaphore_mem>>) src(%dma_wait3A_38 : memref<632x128xf32, #tpu.memory_space<hbm>>) dst(%dma_wait3A_32 : memref<632x128xf32, #tpu.memory_space<vmem_shared>>)
        tpu.yield
      }) : () -> ()
    } else {
    }
    %eq3A_3 = arith.constant 1 : i32
    %eq3A_4 = arith.cmpi eq, %arg0, %eq3A_3 : i32
    %convert_element_type3A_5 = arith.extui %eq3A_4 : i1 to i32
    %cond3A_6 = arith.constant 0 : i32
    %cond3A_7 = arith.cmpi ne, %convert_element_type3A_5, %cond3A_6 : i32
    scf.if %cond3A_7 {
      %run_scoped3A = arith.constant 1 : i32
      "tpu.region"() ({
        %run_scoped3A_24 = tpu.sem_alloc : memref<!tpu.dma_semaphore, #tpu.memory_space<semaphore_mem>>
        %dma_start3A = arith.constant 0 : i32
        %dma_start3A_25 = tpu.memref_slice %arg9[%mul3A_0, %dma_start3A] : memref<10112x128xf32, #tpu.memory_space<vmem_shared>> -> memref<632x128xf32, #tpu.memory_space<vmem_shared>>
        %dma_start3A_26 = arith.constant 0 : i32
        %dma_start3A_27 = arith.constant 0 : i32
        %dma_start3A_28 = tpu.memref_slice %arg2[%run_scoped3A, %dma_start3A_26, %dma_start3A_27] : memref<2x10112x128xf32, #tpu.memory_space<hbm>> -> memref<1x10112x128xf32, #tpu.memory_space<hbm>>
        %dma_start3A_29 = tpu.memref_squeeze %dma_start3A_28 : memref<1x10112x128xf32, #tpu.memory_space<hbm>> -> memref<10112x128xf32, #tpu.memory_space<hbm>>
        %dma_start3A_30 = arith.constant 0 : i32
        %dma_start3A_31 = tpu.memref_slice %dma_start3A_29[%mul3A_0, %dma_start3A_30] : memref<10112x128xf32, #tpu.memory_space<hbm>> -> memref<632x128xf32, #tpu.memory_space<hbm>>
        tpu.enqueue_dma source(%dma_start3A_31 : memref<632x128xf32, #tpu.memory_space<hbm>>) target(%dma_start3A_25 : memref<632x128xf32, #tpu.memory_space<vmem_shared>>) target_semaphore(%run_scoped3A_24 : memref<!tpu.dma_semaphore, #tpu.memory_space<semaphore_mem>>)
        %dma_wait3A = arith.constant 0 : i32
        %dma_wait3A_32 = tpu.memref_slice %arg9[%mul3A_0, %dma_wait3A] : memref<10112x128xf32, #tpu.memory_space<vmem_shared>> -> memref<632x128xf32, #tpu.memory_space<vmem_shared>>
        %dma_wait3A_33 = arith.constant 0 : i32
        %dma_wait3A_34 = arith.constant 0 : i32
        %dma_wait3A_35 = tpu.memref_slice %arg2[%run_scoped3A, %dma_wait3A_33, %dma_wait3A_34] : memref<2x10112x128xf32, #tpu.memory_space<hbm>> -> memref<1x10112x128xf32, #tpu.memory_space<hbm>>
        %dma_wait3A_36 = tpu.memref_squeeze %dma_wait3A_35 : memref<1x10112x128xf32, #tpu.memory_space<hbm>> -> memref<10112x128xf32, #tpu.memory_space<hbm>>
        %dma_wait3A_37 = arith.constant 0 : i32
        %dma_wait3A_38 = tpu.memref_slice %dma_wait3A_36[%mul3A_0, %dma_wait3A_37] : memref<10112x128xf32, #tpu.memory_space<hbm>> -> memref<632x128xf32, #tpu.memory_space<hbm>>
        tpu.wait_dma2 semaphore(%run_scoped3A_24 : memref<!tpu.dma_semaphore, #tpu.memory_space<semaphore_mem>>) src(%dma_wait3A_38 : memref<632x128xf32, #tpu.memory_space<hbm>>) dst(%dma_wait3A_32 : memref<632x128xf32, #tpu.memory_space<vmem_shared>>)
        tpu.yield
      }) : () -> ()
    } else {
    }
    %barrier3A = arith.constant 0 : index
    tpu.barrier barrier_id(%barrier3A)
    %scan3A = arith.constant 0 : i32
    %scan3A_8 = arith.constant 0 : i32
    %scan3A_9 = arith.constant 80 : i32
    %scan3A_10 = arith.addi %scan3A_8, %scan3A_9 : i32
    %scan3A_11 = arith.constant 1 : i32
    scf.for %scan3A_24 = %scan3A_8 to %scan3A_10 step %scan3A_11  : i32 {
      %eq3A_25 = arith.constant 0 : i32
      %eq3A_26 = arith.cmpi eq, %arg0, %eq3A_25 : i32
      %convert_element_type3A_27 = arith.extui %eq3A_26 : i1 to i32
      %cond3A_28 = arith.constant 0 : i32
      %cond3A_29 = arith.cmpi ne, %convert_element_type3A_27, %cond3A_28 : i32
      scf.if %cond3A_29 {
        %run_scoped3A = arith.constant 0 : i32
        "tpu.region"() ({
          %run_scoped3A_35 = tpu.sem_alloc : memref<!tpu.dma_semaphore, #tpu.memory_space<semaphore_mem>>
          %dma_start3A = arith.constant 0 : i32
          %dma_start3A_36 = tpu.memref_slice %arg6[%scan3A_24, %dma_start3A] : memref<80x128xi32, #tpu.memory_space<vmem>> -> memref<1x128xi32, #tpu.memory_space<vmem>>
          %dma_start3A_37 = tpu.memref_squeeze %dma_start3A_36 : memref<1x128xi32, #tpu.memory_space<vmem>> -> memref<128xi32, #tpu.memory_space<vmem>>
          %dma_start3A_38 = arith.constant 0 : i32
          %dma_start3A_39 = arith.constant 0 : i32
          %dma_start3A_40 = tpu.memref_slice %arg2[%run_scoped3A, %dma_start3A_38, %dma_start3A_39] : memref<2x10112x128xf32, #tpu.memory_space<hbm>> -> memref<1x10112x128xf32, #tpu.memory_space<hbm>>
          %dma_start3A_41 = tpu.memref_squeeze %dma_start3A_40 : memref<1x10112x128xf32, #tpu.memory_space<hbm>> -> memref<10112x128xf32, #tpu.memory_space<hbm>>
          %dma_start3A_42 = arith.constant 0 : i32
          %dma_start3A_43 = arith.constant 0 : i32
          %dma_start3A_44 = tpu.memref_slice %dma_start3A_41[%dma_start3A_42, %dma_start3A_43] : memref<10112x128xf32, #tpu.memory_space<hbm>> -> memref<10112x128xf32, #tpu.memory_space<hbm>>
          tpu.enqueue_indirect_dma source(%dma_start3A_44 : memref<10112x128xf32, #tpu.memory_space<hbm>>) target(%arg8 : memref<128x128xf32, #tpu.memory_space<vmem>>) offsets(%dma_start3A_37 : memref<128xi32, #tpu.memory_space<vmem>>) semaphore(%run_scoped3A_35 : memref<!tpu.dma_semaphore, #tpu.memory_space<semaphore_mem>>)
          %dma_wait3A = arith.constant 0 : i32
          %dma_wait3A_45 = tpu.memref_slice %arg6[%scan3A_24, %dma_wait3A] : memref<80x128xi32, #tpu.memory_space<vmem>> -> memref<1x128xi32, #tpu.memory_space<vmem>>
          %dma_wait3A_46 = tpu.memref_squeeze %dma_wait3A_45 : memref<1x128xi32, #tpu.memory_space<vmem>> -> memref<128xi32, #tpu.memory_space<vmem>>
          %dma_wait3A_47 = arith.constant 0 : i32
          %dma_wait3A_48 = arith.constant 0 : i32
          %dma_wait3A_49 = tpu.memref_slice %arg2[%run_scoped3A, %dma_wait3A_47, %dma_wait3A_48] : memref<2x10112x128xf32, #tpu.memory_space<hbm>> -> memref<1x10112x128xf32, #tpu.memory_space<hbm>>
          %dma_wait3A_50 = tpu.memref_squeeze %dma_wait3A_49 : memref<1x10112x128xf32, #tpu.memory_space<hbm>> -> memref<10112x128xf32, #tpu.memory_space<hbm>>
          %dma_wait3A_51 = arith.constant 0 : i32
          %dma_wait3A_52 = arith.constant 0 : i32
          %dma_wait3A_53 = tpu.memref_slice %dma_wait3A_50[%dma_wait3A_51, %dma_wait3A_52] : memref<10112x128xf32, #tpu.memory_space<hbm>> -> memref<10112x128xf32, #tpu.memory_space<hbm>>
          tpu.wait_indirect_dma semaphore(%run_scoped3A_35 : memref<!tpu.dma_semaphore, #tpu.memory_space<semaphore_mem>>) src(%dma_wait3A_53 : memref<10112x128xf32, #tpu.memory_space<hbm>>) dst(%arg8 : memref<128x128xf32, #tpu.memory_space<vmem>>)
          tpu.yield
        }) : () -> ()
      } else {
      }
      %eq3A_30 = arith.constant 1 : i32
      %eq3A_31 = arith.cmpi eq, %arg0, %eq3A_30 : i32
      %convert_element_type3A_32 = arith.extui %eq3A_31 : i1 to i32
      %cond3A_33 = arith.constant 0 : i32
      %cond3A_34 = arith.cmpi ne, %convert_element_type3A_32, %cond3A_33 : i32
      scf.if %cond3A_34 {
        %run_scoped3A = arith.constant 1 : i32
        "tpu.region"() ({
          %run_scoped3A_35 = tpu.sem_alloc : memref<!tpu.dma_semaphore, #tpu.memory_space<semaphore_mem>>
          %dma_start3A = arith.constant 0 : i32
          %dma_start3A_36 = tpu.memref_slice %arg6[%scan3A_24, %dma_start3A] : memref<80x128xi32, #tpu.memory_space<vmem>> -> memref<1x128xi32, #tpu.memory_space<vmem>>
          %dma_start3A_37 = tpu.memref_squeeze %dma_start3A_36 : memref<1x128xi32, #tpu.memory_space<vmem>> -> memref<128xi32, #tpu.memory_space<vmem>>
          %dma_start3A_38 = arith.constant 0 : i32
          %dma_start3A_39 = arith.constant 0 : i32
          %dma_start3A_40 = tpu.memref_slice %arg2[%run_scoped3A, %dma_start3A_38, %dma_start3A_39] : memref<2x10112x128xf32, #tpu.memory_space<hbm>> -> memref<1x10112x128xf32, #tpu.memory_space<hbm>>
          %dma_start3A_41 = tpu.memref_squeeze %dma_start3A_40 : memref<1x10112x128xf32, #tpu.memory_space<hbm>> -> memref<10112x128xf32, #tpu.memory_space<hbm>>
          %dma_start3A_42 = arith.constant 0 : i32
          %dma_start3A_43 = arith.constant 0 : i32
          %dma_start3A_44 = tpu.memref_slice %dma_start3A_41[%dma_start3A_42, %dma_start3A_43] : memref<10112x128xf32, #tpu.memory_space<hbm>> -> memref<10112x128xf32, #tpu.memory_space<hbm>>
          tpu.enqueue_indirect_dma source(%dma_start3A_44 : memref<10112x128xf32, #tpu.memory_space<hbm>>) target(%arg8 : memref<128x128xf32, #tpu.memory_space<vmem>>) offsets(%dma_start3A_37 : memref<128xi32, #tpu.memory_space<vmem>>) semaphore(%run_scoped3A_35 : memref<!tpu.dma_semaphore, #tpu.memory_space<semaphore_mem>>)
          %dma_wait3A = arith.constant 0 : i32
          %dma_wait3A_45 = tpu.memref_slice %arg6[%scan3A_24, %dma_wait3A] : memref<80x128xi32, #tpu.memory_space<vmem>> -> memref<1x128xi32, #tpu.memory_space<vmem>>
          %dma_wait3A_46 = tpu.memref_squeeze %dma_wait3A_45 : memref<1x128xi32, #tpu.memory_space<vmem>> -> memref<128xi32, #tpu.memory_space<vmem>>
          %dma_wait3A_47 = arith.constant 0 : i32
          %dma_wait3A_48 = arith.constant 0 : i32
          %dma_wait3A_49 = tpu.memref_slice %arg2[%run_scoped3A, %dma_wait3A_47, %dma_wait3A_48] : memref<2x10112x128xf32, #tpu.memory_space<hbm>> -> memref<1x10112x128xf32, #tpu.memory_space<hbm>>
          %dma_wait3A_50 = tpu.memref_squeeze %dma_wait3A_49 : memref<1x10112x128xf32, #tpu.memory_space<hbm>> -> memref<10112x128xf32, #tpu.memory_space<hbm>>
          %dma_wait3A_51 = arith.constant 0 : i32
          %dma_wait3A_52 = arith.constant 0 : i32
          %dma_wait3A_53 = tpu.memref_slice %dma_wait3A_50[%dma_wait3A_51, %dma_wait3A_52] : memref<10112x128xf32, #tpu.memory_space<hbm>> -> memref<10112x128xf32, #tpu.memory_space<hbm>>
          tpu.wait_indirect_dma semaphore(%run_scoped3A_35 : memref<!tpu.dma_semaphore, #tpu.memory_space<semaphore_mem>>) src(%dma_wait3A_53 : memref<10112x128xf32, #tpu.memory_space<hbm>>) dst(%arg8 : memref<128x128xf32, #tpu.memory_space<vmem>>)
          tpu.yield
        }) : () -> ()
      } else {
      }
      "tpu.region"() ({
        %run_scoped3A = tpu.sem_alloc : memref<!tpu.dma_semaphore, #tpu.memory_space<semaphore_mem>>
        %dma_start3A = arith.constant 0 : i32
        %dma_start3A_35 = tpu.memref_slice %arg7[%scan3A_24, %dma_start3A] : memref<80x128xi32, #tpu.memory_space<vmem>> -> memref<1x128xi32, #tpu.memory_space<vmem>>
        %dma_start3A_36 = tpu.memref_squeeze %dma_start3A_35 : memref<1x128xi32, #tpu.memory_space<vmem>> -> memref<128xi32, #tpu.memory_space<vmem>>
        %dma_start3A_37 = arith.constant 0 : i32
        %dma_start3A_38 = arith.constant 0 : i32
        %dma_start3A_39 = tpu.memref_slice %arg9[%dma_start3A_37, %dma_start3A_38] : memref<10112x128xf32, #tpu.memory_space<vmem_shared>> -> memref<10112x128xf32, #tpu.memory_space<vmem_shared>>
        tpu.enqueue_indirect_dma source(%arg8 : memref<128x128xf32, #tpu.memory_space<vmem>>) target(%dma_start3A_39 : memref<10112x128xf32, #tpu.memory_space<vmem_shared>>) offsets(%dma_start3A_36 : memref<128xi32, #tpu.memory_space<vmem>>) semaphore(%run_scoped3A : memref<!tpu.dma_semaphore, #tpu.memory_space<semaphore_mem>>) {add = true}
        %dma_wait3A = arith.constant 0 : i32
        %dma_wait3A_40 = tpu.memref_slice %arg7[%scan3A_24, %dma_wait3A] : memref<80x128xi32, #tpu.memory_space<vmem>> -> memref<1x128xi32, #tpu.memory_space<vmem>>
        %dma_wait3A_41 = tpu.memref_squeeze %dma_wait3A_40 : memref<1x128xi32, #tpu.memory_space<vmem>> -> memref<128xi32, #tpu.memory_space<vmem>>
        %dma_wait3A_42 = arith.constant 0 : i32
        %dma_wait3A_43 = arith.constant 0 : i32
        %dma_wait3A_44 = tpu.memref_slice %arg9[%dma_wait3A_42, %dma_wait3A_43] : memref<10112x128xf32, #tpu.memory_space<vmem_shared>> -> memref<10112x128xf32, #tpu.memory_space<vmem_shared>>
        tpu.wait_indirect_dma semaphore(%run_scoped3A : memref<!tpu.dma_semaphore, #tpu.memory_space<semaphore_mem>>) src(%arg8 : memref<128x128xf32, #tpu.memory_space<vmem>>) dst(%dma_wait3A_44 : memref<10112x128xf32, #tpu.memory_space<vmem_shared>>)
        tpu.yield
      }) : () -> ()
    }
    %scan3A_12 = arith.constant 80 : i32
    %barrier3A_13 = arith.constant 0 : index
    tpu.barrier barrier_id(%barrier3A_13)
    %eq3A_14 = arith.constant 0 : i32
    %eq3A_15 = arith.cmpi eq, %arg0, %eq3A_14 : i32
    %convert_element_type3A_16 = arith.extui %eq3A_15 : i1 to i32
    %cond3A_17 = arith.constant 0 : i32
    %cond3A_18 = arith.cmpi ne, %convert_element_type3A_16, %cond3A_17 : i32
    scf.if %cond3A_18 {
      %run_scoped3A = arith.constant 0 : i32
      "tpu.region"() ({
        %run_scoped3A_24 = tpu.sem_alloc : memref<!tpu.dma_semaphore, #tpu.memory_space<semaphore_mem>>
        %dma_start3A = arith.constant 0 : i32
        %dma_start3A_25 = arith.constant 0 : i32
        %dma_start3A_26 = tpu.memref_slice %arg5[%run_scoped3A, %dma_start3A, %dma_start3A_25] : memref<2x10112x128xf32, #tpu.memory_space<hbm>> -> memref<1x10112x128xf32, #tpu.memory_space<hbm>>
        %dma_start3A_27 = tpu.memref_squeeze %dma_start3A_26 : memref<1x10112x128xf32, #tpu.memory_space<hbm>> -> memref<10112x128xf32, #tpu.memory_space<hbm>>
        %dma_start3A_28 = arith.constant 0 : i32
        %dma_start3A_29 = tpu.memref_slice %dma_start3A_27[%mul3A_0, %dma_start3A_28] : memref<10112x128xf32, #tpu.memory_space<hbm>> -> memref<632x128xf32, #tpu.memory_space<hbm>>
        %dma_start3A_30 = arith.constant 0 : i32
        %dma_start3A_31 = tpu.memref_slice %arg9[%mul3A_0, %dma_start3A_30] : memref<10112x128xf32, #tpu.memory_space<vmem_shared>> -> memref<632x128xf32, #tpu.memory_space<vmem_shared>>
        tpu.enqueue_dma source(%dma_start3A_31 : memref<632x128xf32, #tpu.memory_space<vmem_shared>>) target(%dma_start3A_29 : memref<632x128xf32, #tpu.memory_space<hbm>>) target_semaphore(%run_scoped3A_24 : memref<!tpu.dma_semaphore, #tpu.memory_space<semaphore_mem>>)
        %dma_wait3A = arith.constant 0 : i32
        %dma_wait3A_32 = arith.constant 0 : i32
        %dma_wait3A_33 = tpu.memref_slice %arg5[%run_scoped3A, %dma_wait3A, %dma_wait3A_32] : memref<2x10112x128xf32, #tpu.memory_space<hbm>> -> memref<1x10112x128xf32, #tpu.memory_space<hbm>>
        %dma_wait3A_34 = tpu.memref_squeeze %dma_wait3A_33 : memref<1x10112x128xf32, #tpu.memory_space<hbm>> -> memref<10112x128xf32, #tpu.memory_space<hbm>>
        %dma_wait3A_35 = arith.constant 0 : i32
        %dma_wait3A_36 = tpu.memref_slice %dma_wait3A_34[%mul3A_0, %dma_wait3A_35] : memref<10112x128xf32, #tpu.memory_space<hbm>> -> memref<632x128xf32, #tpu.memory_space<hbm>>
        %dma_wait3A_37 = arith.constant 0 : i32
        %dma_wait3A_38 = tpu.memref_slice %arg9[%mul3A_0, %dma_wait3A_37] : memref<10112x128xf32, #tpu.memory_space<vmem_shared>> -> memref<632x128xf32, #tpu.memory_space<vmem_shared>>
        tpu.wait_dma2 semaphore(%run_scoped3A_24 : memref<!tpu.dma_semaphore, #tpu.memory_space<semaphore_mem>>) src(%dma_wait3A_38 : memref<632x128xf32, #tpu.memory_space<vmem_shared>>) dst(%dma_wait3A_36 : memref<632x128xf32, #tpu.memory_space<hbm>>)
        tpu.yield
      }) : () -> ()
    } else {
    }
    %eq3A_19 = arith.constant 1 : i32
    %eq3A_20 = arith.cmpi eq, %arg0, %eq3A_19 : i32
    %convert_element_type3A_21 = arith.extui %eq3A_20 : i1 to i32
    %cond3A_22 = arith.constant 0 : i32
    %cond3A_23 = arith.cmpi ne, %convert_element_type3A_21, %cond3A_22 : i32
    scf.if %cond3A_23 {
      %run_scoped3A = arith.constant 1 : i32
      "tpu.region"() ({
        %run_scoped3A_24 = tpu.sem_alloc : memref<!tpu.dma_semaphore, #tpu.memory_space<semaphore_mem>>
        %dma_start3A = arith.constant 0 : i32
        %dma_start3A_25 = arith.constant 0 : i32
        %dma_start3A_26 = tpu.memref_slice %arg5[%run_scoped3A, %dma_start3A, %dma_start3A_25] : memref<2x10112x128xf32, #tpu.memory_space<hbm>> -> memref<1x10112x128xf32, #tpu.memory_space<hbm>>
        %dma_start3A_27 = tpu.memref_squeeze %dma_start3A_26 : memref<1x10112x128xf32, #tpu.memory_space<hbm>> -> memref<10112x128xf32, #tpu.memory_space<hbm>>
        %dma_start3A_28 = arith.constant 0 : i32
        %dma_start3A_29 = tpu.memref_slice %dma_start3A_27[%mul3A_0, %dma_start3A_28] : memref<10112x128xf32, #tpu.memory_space<hbm>> -> memref<632x128xf32, #tpu.memory_space<hbm>>
        %dma_start3A_30 = arith.constant 0 : i32
        %dma_start3A_31 = tpu.memref_slice %arg9[%mul3A_0, %dma_start3A_30] : memref<10112x128xf32, #tpu.memory_space<vmem_shared>> -> memref<632x128xf32, #tpu.memory_space<vmem_shared>>
        tpu.enqueue_dma source(%dma_start3A_31 : memref<632x128xf32, #tpu.memory_space<vmem_shared>>) target(%dma_start3A_29 : memref<632x128xf32, #tpu.memory_space<hbm>>) target_semaphore(%run_scoped3A_24 : memref<!tpu.dma_semaphore, #tpu.memory_space<semaphore_mem>>)
        %dma_wait3A = arith.constant 0 : i32
        %dma_wait3A_32 = arith.constant 0 : i32
        %dma_wait3A_33 = tpu.memref_slice %arg5[%run_scoped3A, %dma_wait3A, %dma_wait3A_32] : memref<2x10112x128xf32, #tpu.memory_space<hbm>> -> memref<1x10112x128xf32, #tpu.memory_space<hbm>>
        %dma_wait3A_34 = tpu.memref_squeeze %dma_wait3A_33 : memref<1x10112x128xf32, #tpu.memory_space<hbm>> -> memref<10112x128xf32, #tpu.memory_space<hbm>>
        %dma_wait3A_35 = arith.constant 0 : i32
        %dma_wait3A_36 = tpu.memref_slice %dma_wait3A_34[%mul3A_0, %dma_wait3A_35] : memref<10112x128xf32, #tpu.memory_space<hbm>> -> memref<632x128xf32, #tpu.memory_space<hbm>>
        %dma_wait3A_37 = arith.constant 0 : i32
        %dma_wait3A_38 = tpu.memref_slice %arg9[%mul3A_0, %dma_wait3A_37] : memref<10112x128xf32, #tpu.memory_space<vmem_shared>> -> memref<632x128xf32, #tpu.memory_space<vmem_shared>>
        tpu.wait_dma2 semaphore(%run_scoped3A_24 : memref<!tpu.dma_semaphore, #tpu.memory_space<semaphore_mem>>) src(%dma_wait3A_38 : memref<632x128xf32, #tpu.memory_space<vmem_shared>>) dst(%dma_wait3A_36 : memref<632x128xf32, #tpu.memory_space<hbm>>)
        tpu.yield
      }) : () -> ()
    } else {
    }
    return
  }
}

#map = affine_map<(d0, d1) -> (0, 0)>
#map1 = affine_map<(d0, d1) -> (0, 0, 0)>
module attributes {stable_mosaic.version = 14 : i64} {
  func.func @_sc_agg_narrow(%arg0: i32, %arg1: i32, %arg2: memref<10112x128xf32, #tpu.memory_space<hbm>>, %arg3: memref<32x40x128xi32, #tpu.memory_space<hbm>>, %arg4: memref<32x40x128xi32, #tpu.memory_space<hbm>>, %arg5: memref<10112x128xf32, #tpu.memory_space<hbm>>, %arg6: memref<2x10112x128xf32, #tpu.memory_space<hbm>>, %arg7: memref<40x128xi32, #tpu.memory_space<vmem>>, %arg8: memref<40x128xi32, #tpu.memory_space<vmem>>, %arg9: memref<128x128xf32, #tpu.memory_space<vmem>>, %arg10: memref<10112x128xf32, #tpu.memory_space<vmem_shared>>) attributes {dimension_semantics = [#tpu.dimension_semantics<core_parallel>, #tpu.dimension_semantics<subcore_parallel>], iteration_bounds = array<i64: 2, 16>, scalar_prefetch = 0 : i64, scratch_operands = 4 : i64, tpu.core_type = #tpu.core_type<sc_vector_subcore>, window_params = [{transform_indices = #map}, {transform_indices = #map1}, {transform_indices = #map1}, {transform_indices = #map}, {transform_indices = #map1}]} {
    %mul3A = arith.constant 2 : i32
    %mul3A_0 = arith.muli %arg1, %mul3A : i32
    %add3A = arith.addi %mul3A_0, %arg0 : i32
    %mul3A_1 = arith.constant 632 : i32
    %mul3A_2 = arith.muli %arg1, %mul3A_1 : i32
    "tpu.region"() ({
      %run_scoped3A = tpu.sem_alloc : memref<!tpu.dma_semaphore, #tpu.memory_space<semaphore_mem>>
      %dma_start3A = arith.constant 0 : i32
      %dma_start3A_26 = arith.constant 0 : i32
      %dma_start3A_27 = tpu.memref_slice %arg3[%add3A, %dma_start3A, %dma_start3A_26] : memref<32x40x128xi32, #tpu.memory_space<hbm>> -> memref<1x40x128xi32, #tpu.memory_space<hbm>>
      %dma_start3A_28 = tpu.memref_squeeze %dma_start3A_27 : memref<1x40x128xi32, #tpu.memory_space<hbm>> -> memref<40x128xi32, #tpu.memory_space<hbm>>
      %dma_start3A_29 = arith.constant 0 : i32
      %dma_start3A_30 = arith.constant 0 : i32
      %dma_start3A_31 = tpu.memref_slice %arg3[%add3A, %dma_start3A_29, %dma_start3A_30] : memref<32x40x128xi32, #tpu.memory_space<hbm>> -> memref<1x40x128xi32, #tpu.memory_space<hbm>>
      %dma_start3A_32 = tpu.memref_squeeze %dma_start3A_31 : memref<1x40x128xi32, #tpu.memory_space<hbm>> -> memref<40x128xi32, #tpu.memory_space<hbm>>
      tpu.enqueue_dma source(%dma_start3A_32 : memref<40x128xi32, #tpu.memory_space<hbm>>) target(%arg7 : memref<40x128xi32, #tpu.memory_space<vmem>>) target_semaphore(%run_scoped3A : memref<!tpu.dma_semaphore, #tpu.memory_space<semaphore_mem>>)
      %dma_wait3A = arith.constant 0 : i32
      %dma_wait3A_33 = arith.constant 0 : i32
      %dma_wait3A_34 = tpu.memref_slice %arg3[%add3A, %dma_wait3A, %dma_wait3A_33] : memref<32x40x128xi32, #tpu.memory_space<hbm>> -> memref<1x40x128xi32, #tpu.memory_space<hbm>>
      %dma_wait3A_35 = tpu.memref_squeeze %dma_wait3A_34 : memref<1x40x128xi32, #tpu.memory_space<hbm>> -> memref<40x128xi32, #tpu.memory_space<hbm>>
      %dma_wait3A_36 = arith.constant 0 : i32
      %dma_wait3A_37 = arith.constant 0 : i32
      %dma_wait3A_38 = tpu.memref_slice %arg3[%add3A, %dma_wait3A_36, %dma_wait3A_37] : memref<32x40x128xi32, #tpu.memory_space<hbm>> -> memref<1x40x128xi32, #tpu.memory_space<hbm>>
      %dma_wait3A_39 = tpu.memref_squeeze %dma_wait3A_38 : memref<1x40x128xi32, #tpu.memory_space<hbm>> -> memref<40x128xi32, #tpu.memory_space<hbm>>
      tpu.wait_dma2 semaphore(%run_scoped3A : memref<!tpu.dma_semaphore, #tpu.memory_space<semaphore_mem>>) src(%dma_wait3A_39 : memref<40x128xi32, #tpu.memory_space<hbm>>) dst(%arg7 : memref<40x128xi32, #tpu.memory_space<vmem>>)
      tpu.yield
    }) : () -> ()
    "tpu.region"() ({
      %run_scoped3A = tpu.sem_alloc : memref<!tpu.dma_semaphore, #tpu.memory_space<semaphore_mem>>
      %dma_start3A = arith.constant 0 : i32
      %dma_start3A_26 = arith.constant 0 : i32
      %dma_start3A_27 = tpu.memref_slice %arg4[%add3A, %dma_start3A, %dma_start3A_26] : memref<32x40x128xi32, #tpu.memory_space<hbm>> -> memref<1x40x128xi32, #tpu.memory_space<hbm>>
      %dma_start3A_28 = tpu.memref_squeeze %dma_start3A_27 : memref<1x40x128xi32, #tpu.memory_space<hbm>> -> memref<40x128xi32, #tpu.memory_space<hbm>>
      %dma_start3A_29 = arith.constant 0 : i32
      %dma_start3A_30 = arith.constant 0 : i32
      %dma_start3A_31 = tpu.memref_slice %arg4[%add3A, %dma_start3A_29, %dma_start3A_30] : memref<32x40x128xi32, #tpu.memory_space<hbm>> -> memref<1x40x128xi32, #tpu.memory_space<hbm>>
      %dma_start3A_32 = tpu.memref_squeeze %dma_start3A_31 : memref<1x40x128xi32, #tpu.memory_space<hbm>> -> memref<40x128xi32, #tpu.memory_space<hbm>>
      tpu.enqueue_dma source(%dma_start3A_32 : memref<40x128xi32, #tpu.memory_space<hbm>>) target(%arg8 : memref<40x128xi32, #tpu.memory_space<vmem>>) target_semaphore(%run_scoped3A : memref<!tpu.dma_semaphore, #tpu.memory_space<semaphore_mem>>)
      %dma_wait3A = arith.constant 0 : i32
      %dma_wait3A_33 = arith.constant 0 : i32
      %dma_wait3A_34 = tpu.memref_slice %arg4[%add3A, %dma_wait3A, %dma_wait3A_33] : memref<32x40x128xi32, #tpu.memory_space<hbm>> -> memref<1x40x128xi32, #tpu.memory_space<hbm>>
      %dma_wait3A_35 = tpu.memref_squeeze %dma_wait3A_34 : memref<1x40x128xi32, #tpu.memory_space<hbm>> -> memref<40x128xi32, #tpu.memory_space<hbm>>
      %dma_wait3A_36 = arith.constant 0 : i32
      %dma_wait3A_37 = arith.constant 0 : i32
      %dma_wait3A_38 = tpu.memref_slice %arg4[%add3A, %dma_wait3A_36, %dma_wait3A_37] : memref<32x40x128xi32, #tpu.memory_space<hbm>> -> memref<1x40x128xi32, #tpu.memory_space<hbm>>
      %dma_wait3A_39 = tpu.memref_squeeze %dma_wait3A_38 : memref<1x40x128xi32, #tpu.memory_space<hbm>> -> memref<40x128xi32, #tpu.memory_space<hbm>>
      tpu.wait_dma2 semaphore(%run_scoped3A : memref<!tpu.dma_semaphore, #tpu.memory_space<semaphore_mem>>) src(%dma_wait3A_39 : memref<40x128xi32, #tpu.memory_space<hbm>>) dst(%arg8 : memref<40x128xi32, #tpu.memory_space<vmem>>)
      tpu.yield
    }) : () -> ()
    %eq3A = arith.constant 0 : i32
    %eq3A_3 = arith.cmpi eq, %arg0, %eq3A : i32
    %convert_element_type3A = arith.extui %eq3A_3 : i1 to i32
    %cond3A = arith.constant 0 : i32
    %cond3A_4 = arith.cmpi ne, %convert_element_type3A, %cond3A : i32
    scf.if %cond3A_4 {
      "tpu.region"() ({
        %run_scoped3A = tpu.sem_alloc : memref<!tpu.dma_semaphore, #tpu.memory_space<semaphore_mem>>
        %dma_start3A = arith.constant 0 : i32
        %dma_start3A_26 = tpu.memref_slice %arg10[%mul3A_2, %dma_start3A] : memref<10112x128xf32, #tpu.memory_space<vmem_shared>> -> memref<632x128xf32, #tpu.memory_space<vmem_shared>>
        %dma_start3A_27 = arith.constant 0 : i32
        %dma_start3A_28 = tpu.memref_slice %arg2[%mul3A_2, %dma_start3A_27] : memref<10112x128xf32, #tpu.memory_space<hbm>> -> memref<632x128xf32, #tpu.memory_space<hbm>>
        tpu.enqueue_dma source(%dma_start3A_28 : memref<632x128xf32, #tpu.memory_space<hbm>>) target(%dma_start3A_26 : memref<632x128xf32, #tpu.memory_space<vmem_shared>>) target_semaphore(%run_scoped3A : memref<!tpu.dma_semaphore, #tpu.memory_space<semaphore_mem>>)
        %dma_wait3A = arith.constant 0 : i32
        %dma_wait3A_29 = tpu.memref_slice %arg10[%mul3A_2, %dma_wait3A] : memref<10112x128xf32, #tpu.memory_space<vmem_shared>> -> memref<632x128xf32, #tpu.memory_space<vmem_shared>>
        %dma_wait3A_30 = arith.constant 0 : i32
        %dma_wait3A_31 = tpu.memref_slice %arg2[%mul3A_2, %dma_wait3A_30] : memref<10112x128xf32, #tpu.memory_space<hbm>> -> memref<632x128xf32, #tpu.memory_space<hbm>>
        tpu.wait_dma2 semaphore(%run_scoped3A : memref<!tpu.dma_semaphore, #tpu.memory_space<semaphore_mem>>) src(%dma_wait3A_31 : memref<632x128xf32, #tpu.memory_space<hbm>>) dst(%dma_wait3A_29 : memref<632x128xf32, #tpu.memory_space<vmem_shared>>)
        tpu.yield
      }) : () -> ()
    } else {
    }
    %eq3A_5 = arith.constant 1 : i32
    %eq3A_6 = arith.cmpi eq, %arg0, %eq3A_5 : i32
    %convert_element_type3A_7 = arith.extui %eq3A_6 : i1 to i32
    %cond3A_8 = arith.constant 0 : i32
    %cond3A_9 = arith.cmpi ne, %convert_element_type3A_7, %cond3A_8 : i32
    scf.if %cond3A_9 {
      "tpu.region"() ({
        %run_scoped3A = tpu.sem_alloc : memref<!tpu.dma_semaphore, #tpu.memory_space<semaphore_mem>>
        %dma_start3A = arith.constant 0 : i32
        %dma_start3A_26 = tpu.memref_slice %arg10[%mul3A_2, %dma_start3A] : memref<10112x128xf32, #tpu.memory_space<vmem_shared>> -> memref<632x128xf32, #tpu.memory_space<vmem_shared>>
        %dma_start3A_27 = arith.constant 0 : i32
        %dma_start3A_28 = tpu.memref_slice %arg5[%mul3A_2, %dma_start3A_27] : memref<10112x128xf32, #tpu.memory_space<hbm>> -> memref<632x128xf32, #tpu.memory_space<hbm>>
        tpu.enqueue_dma source(%dma_start3A_28 : memref<632x128xf32, #tpu.memory_space<hbm>>) target(%dma_start3A_26 : memref<632x128xf32, #tpu.memory_space<vmem_shared>>) target_semaphore(%run_scoped3A : memref<!tpu.dma_semaphore, #tpu.memory_space<semaphore_mem>>)
        %dma_wait3A = arith.constant 0 : i32
        %dma_wait3A_29 = tpu.memref_slice %arg10[%mul3A_2, %dma_wait3A] : memref<10112x128xf32, #tpu.memory_space<vmem_shared>> -> memref<632x128xf32, #tpu.memory_space<vmem_shared>>
        %dma_wait3A_30 = arith.constant 0 : i32
        %dma_wait3A_31 = tpu.memref_slice %arg5[%mul3A_2, %dma_wait3A_30] : memref<10112x128xf32, #tpu.memory_space<hbm>> -> memref<632x128xf32, #tpu.memory_space<hbm>>
        tpu.wait_dma2 semaphore(%run_scoped3A : memref<!tpu.dma_semaphore, #tpu.memory_space<semaphore_mem>>) src(%dma_wait3A_31 : memref<632x128xf32, #tpu.memory_space<hbm>>) dst(%dma_wait3A_29 : memref<632x128xf32, #tpu.memory_space<vmem_shared>>)
        tpu.yield
      }) : () -> ()
    } else {
    }
    %barrier3A = arith.constant 0 : index
    tpu.barrier barrier_id(%barrier3A)
    %scan3A = arith.constant 0 : i32
    %scan3A_10 = arith.constant 0 : i32
    %scan3A_11 = arith.constant 40 : i32
    %scan3A_12 = arith.addi %scan3A_10, %scan3A_11 : i32
    %scan3A_13 = arith.constant 1 : i32
    scf.for %scan3A_26 = %scan3A_10 to %scan3A_12 step %scan3A_13  : i32 {
      "tpu.region"() ({
        %run_scoped3A = tpu.sem_alloc : memref<!tpu.dma_semaphore, #tpu.memory_space<semaphore_mem>>
        %dma_start3A = arith.constant 0 : i32
        %dma_start3A_27 = tpu.memref_slice %arg7[%scan3A_26, %dma_start3A] : memref<40x128xi32, #tpu.memory_space<vmem>> -> memref<1x128xi32, #tpu.memory_space<vmem>>
        %dma_start3A_28 = tpu.memref_squeeze %dma_start3A_27 : memref<1x128xi32, #tpu.memory_space<vmem>> -> memref<128xi32, #tpu.memory_space<vmem>>
        %dma_start3A_29 = arith.constant 0 : i32
        %dma_start3A_30 = arith.constant 0 : i32
        %dma_start3A_31 = tpu.memref_slice %arg2[%dma_start3A_29, %dma_start3A_30] : memref<10112x128xf32, #tpu.memory_space<hbm>> -> memref<10112x128xf32, #tpu.memory_space<hbm>>
        tpu.enqueue_indirect_dma source(%dma_start3A_31 : memref<10112x128xf32, #tpu.memory_space<hbm>>) target(%arg9 : memref<128x128xf32, #tpu.memory_space<vmem>>) offsets(%dma_start3A_28 : memref<128xi32, #tpu.memory_space<vmem>>) semaphore(%run_scoped3A : memref<!tpu.dma_semaphore, #tpu.memory_space<semaphore_mem>>)
        %dma_wait3A = arith.constant 0 : i32
        %dma_wait3A_32 = tpu.memref_slice %arg7[%scan3A_26, %dma_wait3A] : memref<40x128xi32, #tpu.memory_space<vmem>> -> memref<1x128xi32, #tpu.memory_space<vmem>>
        %dma_wait3A_33 = tpu.memref_squeeze %dma_wait3A_32 : memref<1x128xi32, #tpu.memory_space<vmem>> -> memref<128xi32, #tpu.memory_space<vmem>>
        %dma_wait3A_34 = arith.constant 0 : i32
        %dma_wait3A_35 = arith.constant 0 : i32
        %dma_wait3A_36 = tpu.memref_slice %arg2[%dma_wait3A_34, %dma_wait3A_35] : memref<10112x128xf32, #tpu.memory_space<hbm>> -> memref<10112x128xf32, #tpu.memory_space<hbm>>
        tpu.wait_indirect_dma semaphore(%run_scoped3A : memref<!tpu.dma_semaphore, #tpu.memory_space<semaphore_mem>>) src(%dma_wait3A_36 : memref<10112x128xf32, #tpu.memory_space<hbm>>) dst(%arg9 : memref<128x128xf32, #tpu.memory_space<vmem>>)
        tpu.yield
      }) : () -> ()
      "tpu.region"() ({
        %run_scoped3A = tpu.sem_alloc : memref<!tpu.dma_semaphore, #tpu.memory_space<semaphore_mem>>
        %dma_start3A = arith.constant 0 : i32
        %dma_start3A_27 = tpu.memref_slice %arg8[%scan3A_26, %dma_start3A] : memref<40x128xi32, #tpu.memory_space<vmem>> -> memref<1x128xi32, #tpu.memory_space<vmem>>
        %dma_start3A_28 = tpu.memref_squeeze %dma_start3A_27 : memref<1x128xi32, #tpu.memory_space<vmem>> -> memref<128xi32, #tpu.memory_space<vmem>>
        %dma_start3A_29 = arith.constant 0 : i32
        %dma_start3A_30 = arith.constant 0 : i32
        %dma_start3A_31 = tpu.memref_slice %arg10[%dma_start3A_29, %dma_start3A_30] : memref<10112x128xf32, #tpu.memory_space<vmem_shared>> -> memref<10112x128xf32, #tpu.memory_space<vmem_shared>>
        tpu.enqueue_indirect_dma source(%arg9 : memref<128x128xf32, #tpu.memory_space<vmem>>) target(%dma_start3A_31 : memref<10112x128xf32, #tpu.memory_space<vmem_shared>>) offsets(%dma_start3A_28 : memref<128xi32, #tpu.memory_space<vmem>>) semaphore(%run_scoped3A : memref<!tpu.dma_semaphore, #tpu.memory_space<semaphore_mem>>) {add = true}
        %dma_wait3A = arith.constant 0 : i32
        %dma_wait3A_32 = tpu.memref_slice %arg8[%scan3A_26, %dma_wait3A] : memref<40x128xi32, #tpu.memory_space<vmem>> -> memref<1x128xi32, #tpu.memory_space<vmem>>
        %dma_wait3A_33 = tpu.memref_squeeze %dma_wait3A_32 : memref<1x128xi32, #tpu.memory_space<vmem>> -> memref<128xi32, #tpu.memory_space<vmem>>
        %dma_wait3A_34 = arith.constant 0 : i32
        %dma_wait3A_35 = arith.constant 0 : i32
        %dma_wait3A_36 = tpu.memref_slice %arg10[%dma_wait3A_34, %dma_wait3A_35] : memref<10112x128xf32, #tpu.memory_space<vmem_shared>> -> memref<10112x128xf32, #tpu.memory_space<vmem_shared>>
        tpu.wait_indirect_dma semaphore(%run_scoped3A : memref<!tpu.dma_semaphore, #tpu.memory_space<semaphore_mem>>) src(%arg9 : memref<128x128xf32, #tpu.memory_space<vmem>>) dst(%dma_wait3A_36 : memref<10112x128xf32, #tpu.memory_space<vmem_shared>>)
        tpu.yield
      }) : () -> ()
    }
    %scan3A_14 = arith.constant 40 : i32
    %barrier3A_15 = arith.constant 0 : index
    tpu.barrier barrier_id(%barrier3A_15)
    %eq3A_16 = arith.constant 0 : i32
    %eq3A_17 = arith.cmpi eq, %arg0, %eq3A_16 : i32
    %convert_element_type3A_18 = arith.extui %eq3A_17 : i1 to i32
    %cond3A_19 = arith.constant 0 : i32
    %cond3A_20 = arith.cmpi ne, %convert_element_type3A_18, %cond3A_19 : i32
    scf.if %cond3A_20 {
      %run_scoped3A = arith.constant 0 : i32
      "tpu.region"() ({
        %run_scoped3A_26 = tpu.sem_alloc : memref<!tpu.dma_semaphore, #tpu.memory_space<semaphore_mem>>
        %dma_start3A = arith.constant 0 : i32
        %dma_start3A_27 = arith.constant 0 : i32
        %dma_start3A_28 = tpu.memref_slice %arg6[%run_scoped3A, %dma_start3A, %dma_start3A_27] : memref<2x10112x128xf32, #tpu.memory_space<hbm>> -> memref<1x10112x128xf32, #tpu.memory_space<hbm>>
        %dma_start3A_29 = tpu.memref_squeeze %dma_start3A_28 : memref<1x10112x128xf32, #tpu.memory_space<hbm>> -> memref<10112x128xf32, #tpu.memory_space<hbm>>
        %dma_start3A_30 = arith.constant 0 : i32
        %dma_start3A_31 = tpu.memref_slice %dma_start3A_29[%mul3A_2, %dma_start3A_30] : memref<10112x128xf32, #tpu.memory_space<hbm>> -> memref<632x128xf32, #tpu.memory_space<hbm>>
        %dma_start3A_32 = arith.constant 0 : i32
        %dma_start3A_33 = tpu.memref_slice %arg10[%mul3A_2, %dma_start3A_32] : memref<10112x128xf32, #tpu.memory_space<vmem_shared>> -> memref<632x128xf32, #tpu.memory_space<vmem_shared>>
        tpu.enqueue_dma source(%dma_start3A_33 : memref<632x128xf32, #tpu.memory_space<vmem_shared>>) target(%dma_start3A_31 : memref<632x128xf32, #tpu.memory_space<hbm>>) target_semaphore(%run_scoped3A_26 : memref<!tpu.dma_semaphore, #tpu.memory_space<semaphore_mem>>)
        %dma_wait3A = arith.constant 0 : i32
        %dma_wait3A_34 = arith.constant 0 : i32
        %dma_wait3A_35 = tpu.memref_slice %arg6[%run_scoped3A, %dma_wait3A, %dma_wait3A_34] : memref<2x10112x128xf32, #tpu.memory_space<hbm>> -> memref<1x10112x128xf32, #tpu.memory_space<hbm>>
        %dma_wait3A_36 = tpu.memref_squeeze %dma_wait3A_35 : memref<1x10112x128xf32, #tpu.memory_space<hbm>> -> memref<10112x128xf32, #tpu.memory_space<hbm>>
        %dma_wait3A_37 = arith.constant 0 : i32
        %dma_wait3A_38 = tpu.memref_slice %dma_wait3A_36[%mul3A_2, %dma_wait3A_37] : memref<10112x128xf32, #tpu.memory_space<hbm>> -> memref<632x128xf32, #tpu.memory_space<hbm>>
        %dma_wait3A_39 = arith.constant 0 : i32
        %dma_wait3A_40 = tpu.memref_slice %arg10[%mul3A_2, %dma_wait3A_39] : memref<10112x128xf32, #tpu.memory_space<vmem_shared>> -> memref<632x128xf32, #tpu.memory_space<vmem_shared>>
        tpu.wait_dma2 semaphore(%run_scoped3A_26 : memref<!tpu.dma_semaphore, #tpu.memory_space<semaphore_mem>>) src(%dma_wait3A_40 : memref<632x128xf32, #tpu.memory_space<vmem_shared>>) dst(%dma_wait3A_38 : memref<632x128xf32, #tpu.memory_space<hbm>>)
        tpu.yield
      }) : () -> ()
    } else {
    }
    %eq3A_21 = arith.constant 1 : i32
    %eq3A_22 = arith.cmpi eq, %arg0, %eq3A_21 : i32
    %convert_element_type3A_23 = arith.extui %eq3A_22 : i1 to i32
    %cond3A_24 = arith.constant 0 : i32
    %cond3A_25 = arith.cmpi ne, %convert_element_type3A_23, %cond3A_24 : i32
    scf.if %cond3A_25 {
      %run_scoped3A = arith.constant 1 : i32
      "tpu.region"() ({
        %run_scoped3A_26 = tpu.sem_alloc : memref<!tpu.dma_semaphore, #tpu.memory_space<semaphore_mem>>
        %dma_start3A = arith.constant 0 : i32
        %dma_start3A_27 = arith.constant 0 : i32
        %dma_start3A_28 = tpu.memref_slice %arg6[%run_scoped3A, %dma_start3A, %dma_start3A_27] : memref<2x10112x128xf32, #tpu.memory_space<hbm>> -> memref<1x10112x128xf32, #tpu.memory_space<hbm>>
        %dma_start3A_29 = tpu.memref_squeeze %dma_start3A_28 : memref<1x10112x128xf32, #tpu.memory_space<hbm>> -> memref<10112x128xf32, #tpu.memory_space<hbm>>
        %dma_start3A_30 = arith.constant 0 : i32
        %dma_start3A_31 = tpu.memref_slice %dma_start3A_29[%mul3A_2, %dma_start3A_30] : memref<10112x128xf32, #tpu.memory_space<hbm>> -> memref<632x128xf32, #tpu.memory_space<hbm>>
        %dma_start3A_32 = arith.constant 0 : i32
        %dma_start3A_33 = tpu.memref_slice %arg10[%mul3A_2, %dma_start3A_32] : memref<10112x128xf32, #tpu.memory_space<vmem_shared>> -> memref<632x128xf32, #tpu.memory_space<vmem_shared>>
        tpu.enqueue_dma source(%dma_start3A_33 : memref<632x128xf32, #tpu.memory_space<vmem_shared>>) target(%dma_start3A_31 : memref<632x128xf32, #tpu.memory_space<hbm>>) target_semaphore(%run_scoped3A_26 : memref<!tpu.dma_semaphore, #tpu.memory_space<semaphore_mem>>)
        %dma_wait3A = arith.constant 0 : i32
        %dma_wait3A_34 = arith.constant 0 : i32
        %dma_wait3A_35 = tpu.memref_slice %arg6[%run_scoped3A, %dma_wait3A, %dma_wait3A_34] : memref<2x10112x128xf32, #tpu.memory_space<hbm>> -> memref<1x10112x128xf32, #tpu.memory_space<hbm>>
        %dma_wait3A_36 = tpu.memref_squeeze %dma_wait3A_35 : memref<1x10112x128xf32, #tpu.memory_space<hbm>> -> memref<10112x128xf32, #tpu.memory_space<hbm>>
        %dma_wait3A_37 = arith.constant 0 : i32
        %dma_wait3A_38 = tpu.memref_slice %dma_wait3A_36[%mul3A_2, %dma_wait3A_37] : memref<10112x128xf32, #tpu.memory_space<hbm>> -> memref<632x128xf32, #tpu.memory_space<hbm>>
        %dma_wait3A_39 = arith.constant 0 : i32
        %dma_wait3A_40 = tpu.memref_slice %arg10[%mul3A_2, %dma_wait3A_39] : memref<10112x128xf32, #tpu.memory_space<vmem_shared>> -> memref<632x128xf32, #tpu.memory_space<vmem_shared>>
        tpu.wait_dma2 semaphore(%run_scoped3A_26 : memref<!tpu.dma_semaphore, #tpu.memory_space<semaphore_mem>>) src(%dma_wait3A_40 : memref<632x128xf32, #tpu.memory_space<vmem_shared>>) dst(%dma_wait3A_38 : memref<632x128xf32, #tpu.memory_space<hbm>>)
        tpu.yield
      }) : () -> ()
    } else {
    }
    return
  }
}

module attributes {stable_mosaic.version = 14 : i64} {
  func.func @_tc_prep_body(%arg0: i32, %arg1: memref<2528x256xf32, #tpu.memory_space<vmem>>, %arg2: memref<256x256xf32, #tpu.memory_space<vmem>>, %arg3: memref<2x2528x8xf32, #tpu.memory_space<vmem>>, %arg4: memref<2x2528x128xf32, #tpu.memory_space<vmem>>, %arg5: memref<2528x8xf32, #tpu.memory_space<vmem>>) attributes {dimension_semantics = [#tpu.dimension_semantics<arbitrary>], iteration_bounds = array<i64: 4>, scalar_prefetch = 0 : i64, scratch_operands = 0 : i64, tpu.core_type = #tpu.core_type<tc>, window_params = [{transform_indices = @transform_0, window_bounds = array<i64: 2528, 256>}, {pipeline_mode = #tpu.pipeline_mode<synchronous>, transform_indices = @transform_1, window_bounds = array<i64: 256, 256>}, {transform_indices = @transform_2, window_bounds = array<i64: 2, 2528, 8>}, {transform_indices = @transform_3, window_bounds = array<i64: 2, 2528, 128>}, {transform_indices = @transform_4, window_bounds = array<i64: 2528, 8>}]} {
    %get3A = arith.constant 0 : index
    %get3A_0 = arith.constant 0 : index
    %get3A_1 = vector.load %arg1[%get3A, %get3A_0] : memref<2528x256xf32, #tpu.memory_space<vmem>>, vector<2528x256xf32>
    %get3A_2 = arith.constant 0 : index
    %get3A_3 = arith.constant 0 : index
    %get3A_4 = vector.load %arg2[%get3A_2, %get3A_3] : memref<256x256xf32, #tpu.memory_space<vmem>>, vector<256x256xf32>
    %dot_general3A = arith.constant dense<0.000000e+00> : vector<2528x256xf32>
    %dot_general3A_5 = tpu.matmul %get3A_1, %get3A_4, %dot_general3A {dimension_numbers = #tpu.dot_dimension_numbers<[1], [0], [0], [1], [0, 0, 1, 1], [], []>, transpose_lhs_hint = false} : vector<2528x256xf32>, vector<256x256xf32>, vector<2528x256xf32> -> vector<2528x256xf32>
    %get3A_6 = arith.constant 0 : index
    %get3A_7 = arith.constant 0 : index
    %get3A_8 = arith.constant 0 : index
    %get3A_9 = vector.load %arg3[%get3A_6, %get3A_7, %get3A_8] : memref<2x2528x8xf32, #tpu.memory_space<vmem>>, vector<1x2528x1xf32>
    %get3A_10 = vector.shape_cast %get3A_9 : vector<1x2528x1xf32> to vector<2528xf32>
    %get3A_11 = arith.constant 1 : index
    %get3A_12 = arith.constant 0 : index
    %get3A_13 = arith.constant 0 : index
    %get3A_14 = vector.load %arg3[%get3A_11, %get3A_12, %get3A_13] : memref<2x2528x8xf32, #tpu.memory_space<vmem>>, vector<1x2528x1xf32>
    %get3A_15 = vector.shape_cast %get3A_14 : vector<1x2528x1xf32> to vector<2528xf32>
    %add3A = arith.addf %get3A_10, %get3A_15 : vector<2528xf32>
    %add3A_16 = arith.constant 1.000000e+00 : f32
    %add3A_17 = vector.broadcast %add3A_16 : f32 to vector<2528xf32>
    %add3A_18 = arith.addf %add3A, %add3A_17 : vector<2528xf32>
    %rsqrt3A = math.rsqrt %add3A_18 : vector<2528xf32>
    %broadcast_in_dim3A = vector.shape_cast %rsqrt3A : vector<2528xf32> to vector<2528x1xf32>
    %mul3A = vector.broadcast %broadcast_in_dim3A : vector<2528x1xf32> to vector<2528x256xf32>
    %mul3A_19 = arith.mulf %dot_general3A_5, %mul3A : vector<2528x256xf32>
    %slice3A = vector.extract_strided_slice %mul3A_19 {offsets = [0, 0], sizes = [2528, 128], strides = [1, 1]} : vector<2528x256xf32> to vector<2528x128xf32>
    %swap3A = arith.constant 0 : index
    %swap3A_20 = arith.constant 0 : index
    %swap3A_21 = arith.constant 0 : index
    %swap3A_22 = vector.load %arg4[%swap3A, %swap3A_20, %swap3A_21] : memref<2x2528x128xf32, #tpu.memory_space<vmem>>, vector<1x2528x128xf32>
    %swap3A_23 = vector.shape_cast %swap3A_22 : vector<1x2528x128xf32> to vector<2528x128xf32>
    %swap3A_24 = vector.shape_cast %slice3A : vector<2528x128xf32> to vector<1x2528x128xf32>
    tpu.vector_store %arg4[%swap3A, %swap3A_20, %swap3A_21], %swap3A_24 {strides = array<i32>} : memref<2x2528x128xf32, #tpu.memory_space<vmem>>, vector<1x2528x128xf32>,
    %slice3A_25 = vector.extract_strided_slice %mul3A_19 {offsets = [0, 128], sizes = [2528, 128], strides = [1, 1]} : vector<2528x256xf32> to vector<2528x128xf32>
    %swap3A_26 = arith.constant 1 : index
    %swap3A_27 = arith.constant 0 : index
    %swap3A_28 = arith.constant 0 : index
    %swap3A_29 = vector.load %arg4[%swap3A_26, %swap3A_27, %swap3A_28] : memref<2x2528x128xf32, #tpu.memory_space<vmem>>, vector<1x2528x128xf32>
    %swap3A_30 = vector.shape_cast %swap3A_29 : vector<1x2528x128xf32> to vector<2528x128xf32>
    %swap3A_31 = vector.shape_cast %slice3A_25 : vector<2528x128xf32> to vector<1x2528x128xf32>
    tpu.vector_store %arg4[%swap3A_26, %swap3A_27, %swap3A_28], %swap3A_31 {strides = array<i32>} : memref<2x2528x128xf32, #tpu.memory_space<vmem>>, vector<1x2528x128xf32>,
    %broadcast_in_dim3A_32 = vector.shape_cast %rsqrt3A : vector<2528xf32> to vector<2528x1xf32>
    %broadcast_in_dim3A_33 = vector.shape_cast %broadcast_in_dim3A_32 : vector<2528x1xf32> to vector<2528x1xf32>
    %broadcast_in_dim3A_34 = vector.broadcast %broadcast_in_dim3A_33 : vector<2528x1xf32> to vector<2528x8xf32>
    %swap3A_35 = arith.constant 0 : index
    %swap3A_36 = arith.constant 0 : index
    %swap3A_37 = vector.load %arg5[%swap3A_35, %swap3A_36] : memref<2528x8xf32, #tpu.memory_space<vmem>>, vector<2528x8xf32>
    tpu.vector_store %arg5[%swap3A_35, %swap3A_36], %broadcast_in_dim3A_34 {strides = array<i32>} : memref<2528x8xf32, #tpu.memory_space<vmem>>, vector<2528x8xf32>,
    return
  }
  func.func @transform_0(%arg0: i32) -> (i32, i32) {
    %c0_i32 = arith.constant 0 : i32
    %c0_i32_0 = arith.constant 0 : i32
    return %arg0, %c0_i32 : i32, i32
  }
  func.func @transform_1(%arg0: i32) -> (i32, i32) {
    %c0_i32 = arith.constant 0 : i32
    %c0_i32_0 = arith.constant 0 : i32
    %c0_i32_1 = arith.constant 0 : i32
    return %c0_i32, %c0_i32_0 : i32, i32
  }
  func.func @transform_2(%arg0: i32) -> (i32, i32, i32) {
    %c0_i32 = arith.constant 0 : i32
    %c0_i32_0 = arith.constant 0 : i32
    %c0_i32_1 = arith.constant 0 : i32
    return %c0_i32, %arg0, %c0_i32_0 : i32, i32, i32
  }
  func.func @transform_3(%arg0: i32) -> (i32, i32, i32) {
    %c0_i32 = arith.constant 0 : i32
    %c0_i32_0 = arith.constant 0 : i32
    %c0_i32_1 = arith.constant 0 : i32
    return %c0_i32, %arg0, %c0_i32_0 : i32, i32, i32
  }
  func.func @transform_4(%arg0: i32) -> (i32, i32) {
    %c0_i32 = arith.constant 0 : i32
    %c0_i32_0 = arith.constant 0 : i32
    return %arg0, %c0_i32 : i32, i32
  }
}

module attributes {stable_mosaic.version = 14 : i64} {
  func.func @_tc_mid_body(%arg0: i32, %arg1: memref<2x2528x128xf32, #tpu.memory_space<vmem>>, %arg2: memref<2528x8xf32, #tpu.memory_space<vmem>>, %arg3: memref<1x256xf32, #tpu.memory_space<vmem>>, %arg4: memref<256x128xf32, #tpu.memory_space<vmem>>, %arg5: memref<2528x128xf32, #tpu.memory_space<vmem>>) attributes {dimension_semantics = [#tpu.dimension_semantics<arbitrary>], iteration_bounds = array<i64: 4>, scalar_prefetch = 0 : i64, scratch_operands = 0 : i64, tpu.core_type = #tpu.core_type<tc>, window_params = [{transform_indices = @transform_0, window_bounds = array<i64: 2, 2528, 128>}, {transform_indices = @transform_1, window_bounds = array<i64: 2528, 8>}, {pipeline_mode = #tpu.pipeline_mode<synchronous>, transform_indices = @transform_2, window_bounds = array<i64: 1, 256>}, {pipeline_mode = #tpu.pipeline_mode<synchronous>, transform_indices = @transform_3, window_bounds = array<i64: 256, 128>}, {transform_indices = @transform_4, window_bounds = array<i64: 2528, 128>}]} {
    %get3A = arith.constant 0 : index
    %get3A_0 = arith.constant 0 : index
    %get3A_1 = arith.constant 0 : index
    %get3A_2 = vector.load %arg1[%get3A, %get3A_0, %get3A_1] : memref<2x2528x128xf32, #tpu.memory_space<vmem>>, vector<1x2528x128xf32>
    %get3A_3 = vector.shape_cast %get3A_2 : vector<1x2528x128xf32> to vector<2528x128xf32>
    %get3A_4 = arith.constant 1 : index
    %get3A_5 = arith.constant 0 : index
    %get3A_6 = arith.constant 0 : index
    %get3A_7 = vector.load %arg1[%get3A_4, %get3A_5, %get3A_6] : memref<2x2528x128xf32, #tpu.memory_space<vmem>>, vector<1x2528x128xf32>
    %get3A_8 = vector.shape_cast %get3A_7 : vector<1x2528x128xf32> to vector<2528x128xf32>
    %concatenate3A = tpu.concatenate %get3A_3, %get3A_8 in 1 : vector<2528x128xf32>, vector<2528x128xf32> -> vector<2528x256xf32>
    %get3A_9 = arith.constant 0 : index
    %get3A_10 = arith.constant 0 : index
    %get3A_11 = vector.load %arg2[%get3A_9, %get3A_10] : memref<2528x8xf32, #tpu.memory_space<vmem>>, vector<2528x1xf32>
    %get3A_12 = vector.shape_cast %get3A_11 : vector<2528x1xf32> to vector<2528xf32>
    %broadcast_in_dim3A = vector.shape_cast %get3A_12 : vector<2528xf32> to vector<2528x1xf32>
    %mul3A = vector.broadcast %broadcast_in_dim3A : vector<2528x1xf32> to vector<2528x256xf32>
    %mul3A_13 = arith.mulf %concatenate3A, %mul3A : vector<2528x256xf32>
    %get3A_14 = arith.constant 0 : index
    %get3A_15 = arith.constant 0 : index
    %get3A_16 = vector.load %arg3[%get3A_14, %get3A_15] : memref<1x256xf32, #tpu.memory_space<vmem>>, vector<1x256xf32>
    %add3A = vector.broadcast %get3A_16 : vector<1x256xf32> to vector<2528x256xf32>
    %add3A_17 = arith.addf %mul3A_13, %add3A : vector<2528x256xf32>
    %max3A = arith.constant 0.000000e+00 : f32
    %max3A_18 = vector.broadcast %max3A : f32 to vector<2528x256xf32>
    %max3A_19 = arith.maximumf %add3A_17, %max3A_18 : vector<2528x256xf32>
    %get3A_20 = arith.constant 0 : index
    %get3A_21 = arith.constant 0 : index
    %get3A_22 = vector.load %arg4[%get3A_20, %get3A_21] : memref<256x128xf32, #tpu.memory_space<vmem>>, vector<256x128xf32>
    %dot_general3A = arith.constant dense<0.000000e+00> : vector<2528x128xf32>
    %dot_general3A_23 = tpu.matmul %max3A_19, %get3A_22, %dot_general3A {dimension_numbers = #tpu.dot_dimension_numbers<[1], [0], [0], [1], [0, 0, 1, 1], [], []>, transpose_lhs_hint = false} : vector<2528x256xf32>, vector<256x128xf32>, vector<2528x128xf32> -> vector<2528x128xf32>
    %broadcast_in_dim3A_24 = vector.shape_cast %get3A_12 : vector<2528xf32> to vector<2528x1xf32>
    %mul3A_25 = vector.broadcast %broadcast_in_dim3A_24 : vector<2528x1xf32> to vector<2528x128xf32>
    %mul3A_26 = arith.mulf %dot_general3A_23, %mul3A_25 : vector<2528x128xf32>
    %swap3A = arith.constant 0 : index
    %swap3A_27 = arith.constant 0 : index
    %swap3A_28 = vector.load %arg5[%swap3A, %swap3A_27] : memref<2528x128xf32, #tpu.memory_space<vmem>>, vector<2528x128xf32>
    tpu.vector_store %arg5[%swap3A, %swap3A_27], %mul3A_26 {strides = array<i32>} : memref<2528x128xf32, #tpu.memory_space<vmem>>, vector<2528x128xf32>,
    return
  }
  func.func @transform_0(%arg0: i32) -> (i32, i32, i32) {
    %c0_i32 = arith.constant 0 : i32
    %c0_i32_0 = arith.constant 0 : i32
    %c0_i32_1 = arith.constant 0 : i32
    return %c0_i32, %arg0, %c0_i32_0 : i32, i32, i32
  }
  func.func @transform_1(%arg0: i32) -> (i32, i32) {
    %c0_i32 = arith.constant 0 : i32
    %c0_i32_0 = arith.constant 0 : i32
    return %arg0, %c0_i32 : i32, i32
  }
  func.func @transform_2(%arg0: i32) -> (i32, i32) {
    %c0_i32 = arith.constant 0 : i32
    %c0_i32_0 = arith.constant 0 : i32
    %c0_i32_1 = arith.constant 0 : i32
    return %c0_i32, %c0_i32_0 : i32, i32
  }
  func.func @transform_3(%arg0: i32) -> (i32, i32) {
    %c0_i32 = arith.constant 0 : i32
    %c0_i32_0 = arith.constant 0 : i32
    %c0_i32_1 = arith.constant 0 : i32
    return %c0_i32, %c0_i32_0 : i32, i32
  }
  func.func @transform_4(%arg0: i32) -> (i32, i32) {
    %c0_i32 = arith.constant 0 : i32
    %c0_i32_0 = arith.constant 0 : i32
    return %arg0, %c0_i32 : i32, i32
  }
}

module attributes {stable_mosaic.version = 14 : i64} {
  func.func @_tc_final_body(%arg0: i32, %arg1: memref<2x2528x128xf32, #tpu.memory_space<vmem>>, %arg2: memref<2528x8xf32, #tpu.memory_space<vmem>>, %arg3: memref<1x128xf32, #tpu.memory_space<vmem>>, %arg4: memref<2528x128xf32, #tpu.memory_space<vmem>>) attributes {dimension_semantics = [#tpu.dimension_semantics<arbitrary>], iteration_bounds = array<i64: 4>, scalar_prefetch = 0 : i64, scratch_operands = 0 : i64, tpu.core_type = #tpu.core_type<tc>, window_params = [{transform_indices = @transform_0, window_bounds = array<i64: 2, 2528, 128>}, {transform_indices = @transform_1, window_bounds = array<i64: 2528, 8>}, {pipeline_mode = #tpu.pipeline_mode<synchronous>, transform_indices = @transform_2, window_bounds = array<i64: 1, 128>}, {transform_indices = @transform_3, window_bounds = array<i64: 2528, 128>}]} {
    %get3A = arith.constant 0 : index
    %get3A_0 = arith.constant 0 : index
    %get3A_1 = arith.constant 0 : index
    %get3A_2 = vector.load %arg1[%get3A, %get3A_0, %get3A_1] : memref<2x2528x128xf32, #tpu.memory_space<vmem>>, vector<1x2528x128xf32>
    %get3A_3 = vector.shape_cast %get3A_2 : vector<1x2528x128xf32> to vector<2528x128xf32>
    %get3A_4 = arith.constant 1 : index
    %get3A_5 = arith.constant 0 : index
    %get3A_6 = arith.constant 0 : index
    %get3A_7 = vector.load %arg1[%get3A_4, %get3A_5, %get3A_6] : memref<2x2528x128xf32, #tpu.memory_space<vmem>>, vector<1x2528x128xf32>
    %get3A_8 = vector.shape_cast %get3A_7 : vector<1x2528x128xf32> to vector<2528x128xf32>
    %add3A = arith.addf %get3A_3, %get3A_8 : vector<2528x128xf32>
    %get3A_9 = arith.constant 0 : index
    %get3A_10 = arith.constant 0 : index
    %get3A_11 = vector.load %arg2[%get3A_9, %get3A_10] : memref<2528x8xf32, #tpu.memory_space<vmem>>, vector<2528x1xf32>
    %get3A_12 = vector.shape_cast %get3A_11 : vector<2528x1xf32> to vector<2528xf32>
    %broadcast_in_dim3A = vector.shape_cast %get3A_12 : vector<2528xf32> to vector<2528x1xf32>
    %mul3A = vector.broadcast %broadcast_in_dim3A : vector<2528x1xf32> to vector<2528x128xf32>
    %mul3A_13 = arith.mulf %add3A, %mul3A : vector<2528x128xf32>
    %get3A_14 = arith.constant 0 : index
    %get3A_15 = arith.constant 0 : index
    %get3A_16 = vector.load %arg3[%get3A_14, %get3A_15] : memref<1x128xf32, #tpu.memory_space<vmem>>, vector<1x128xf32>
    %add3A_17 = vector.broadcast %get3A_16 : vector<1x128xf32> to vector<2528x128xf32>
    %add3A_18 = arith.addf %mul3A_13, %add3A_17 : vector<2528x128xf32>
    %max3A = arith.constant 0.000000e+00 : f32
    %max3A_19 = vector.broadcast %max3A : f32 to vector<2528x128xf32>
    %max3A_20 = arith.maximumf %add3A_18, %max3A_19 : vector<2528x128xf32>
    %swap3A = arith.constant 0 : index
    %swap3A_21 = arith.constant 0 : index
    %swap3A_22 = vector.load %arg4[%swap3A, %swap3A_21] : memref<2528x128xf32, #tpu.memory_space<vmem>>, vector<2528x128xf32>
    tpu.vector_store %arg4[%swap3A, %swap3A_21], %max3A_20 {strides = array<i32>} : memref<2528x128xf32, #tpu.memory_space<vmem>>, vector<2528x128xf32>,
    return
  }
  func.func @transform_0(%arg0: i32) -> (i32, i32, i32) {
    %c0_i32 = arith.constant 0 : i32
    %c0_i32_0 = arith.constant 0 : i32
    %c0_i32_1 = arith.constant 0 : i32
    return %c0_i32, %arg0, %c0_i32_0 : i32, i32, i32
  }
  func.func @transform_1(%arg0: i32) -> (i32, i32) {
    %c0_i32 = arith.constant 0 : i32
    %c0_i32_0 = arith.constant 0 : i32
    return %arg0, %c0_i32 : i32, i32
  }
  func.func @transform_2(%arg0: i32) -> (i32, i32) {
    %c0_i32 = arith.constant 0 : i32
    %c0_i32_0 = arith.constant 0 : i32
    %c0_i32_1 = arith.constant 0 : i32
    return %c0_i32, %c0_i32_0 : i32, i32
  }
  func.func @transform_3(%arg0: i32) -> (i32, i32) {
    %c0_i32 = arith.constant 0 : i32
    %c0_i32_0 = arith.constant 0 : i32
    return %arg0, %c0_i32 : i32, i32
  }
}

</mosaic_0001>

<sc_bundles>
// kernel: kernel.11.cloned.1.call-start
scs
__scs_entry_jumppad:
0x0: {  	(pc) =	sbr.rel $0x88, $3  }
0x1: {  	(tag) =	ssettag $0x0;
	lr =	simm.s32 $0x1  }
0x2: {  	[smem:$0x3F9B] =	sst lr;
	_ =	strace $0xD0000000  }
0x3: {  	_ = 	snop  }
0x4: {  	_ = 	snop  }
0x5: {  	_ = 	snop  }
0x6: {  	_ = 	snop  }
0x7: {  	_ = 	snop  }
__scs_overlays_trampoline_lowered:
0x8: {  	[smem:$0x3FAA] =	sst s0  }
0x9: {  	[smem:$0x3FAB] =	sst s1  }
0xa: {  	[smem:$0x3FAC] =	sst s2  }
0xb: {  	[smem:$0x3FAD] =	sst s3  }
0xc: {  	[smem:$0x3FAE] =	sst s4  }
0xd: {  	[smem:$0x3FAF] =	sst s5  }
0xe: {  	[smem:$0x3FB0] =	sst s6  }
0xf: {  	[smem:$0x3FB1] =	sst s7  }
0x10: {  	[smem:$0x3FB2] =	sst s8  }
0x11: {  	[smem:$0x3FB3] =	sst s9;
	s0 =	simm.s32 @!p0 $0x0  }
0x12: {  	s1 =	sld [smem:$0x3F99];
	s0 =	simm.s32 @p0 $0x1  }
0x13: {  	[smem:$0x3FB4] =	sst s0;
	s0 =	simm.s32 @!p1 $0x0  }
0x14: {  	s2 =	sld [smem:$0x3F98];
	s0 =	simm.s32 @p1 $0x1  }
0x15: {  	[smem:$0x3FB5] =	sst s0;
	s0 =	simm.s32 @!p2 $0x0  }
0x16: {  	s3 =	sld [smem:$0x3FDB];
	s0 =	simm.s32 @p2 $0x1  }
0x17: {  	s4 =	simm.s32 $0x1BF5;
	[smem:$0x3FB7] =	sst s0  }
0x18: {  	s0 =	sld [smem:$0x3F9A];
	_ =	swait.ge [sflag:s4], $0x0  }
0x19: {  	s7 =	sld [smem:$0x3F9B]  }
0x1a: {  	s8 =	sadd.s32 $0xFFFFE003, lr  }
0x1b: {  	s9 =	sadd.s32 $0xFFFFFEF7, lr;
	s5 =	simm.s32 $0xFFFFFFFF;
	p2 =	slt.u32 s8, $0xFFFFF086  }
0x1c: {  	p1 =	slt.u32 s9, $0xF7A;
	s5 =	simm.s32 @!p2 $0x0  }
0x1d: {  	s5 =	simm.s32 @p1 $0x1;
	p0 =	seq.s32 s7, s2  }
0x1e: {  	s7 =	smul.u32 @!p0 $0xF7A, s2;
	p2 =	seq.s32 @!p0 s5, $0x0  }
0x1f: {  	s9 =	smul.u32 $0xF7A, s1;
	s8 =	simm.s32 @!p0 $0x1BF5;
	p2 =	por !p2, p0  }
0x20: {  	[sflag:s8] =	ssyncset.s32 @!p0 $0xFFFFF086;
	s6 =	sadd.s32 @!p0 s3, s7;
	s7 =	simm.s32 @!p0 $0x108  }
0x21: {  	s3 =	sadd.s32 s3, s9;
	s6 =	sadd.s32 @!p0 $0x88, s6;
	s7 =	simm.s32 @p2 $0x1082  }
0x22: {  	[simem:s7], [sflag:s8] =	dma.local @!p0 [hbm:s6], $0xF7A  }
0x23: {  	s9 =	sor.u32 $0xD0000000, s2;
	s6 =	simm.s32 $0x108;
	_ =	swait.ge @!p0 [sflag:s8], $0x0  }
0x24: {  	s3 =	sadd.s32 $0x88, s3;
	s6 =	simm.s32 @!p1 $0x1082;
	[sflag:s4] =	ssyncset.s32 $0xFFFFF086  }
0x25: {  	[simem:s6], [sflag:s4] =	dma.local [hbm:s3], $0xF7A  }
0x26: {  	[smem:$0x3F9B] =	sst s1;
	(tag) =	ssettag s2;
	_ =	strace s9  }
0x27: {  	s1 =	sld [smem:$0x3FAB]  }
0x28: {  	s2 =	sld [smem:$0x3FAC]  }
0x29: {  	s4 =	sld [smem:$0x3FAE]  }
0x2a: {  	p0 =	seq.s32 s5, $0x0;
	s5 =	sld [smem:$0x3FAF]  }
0x2b: {  	s6 =	sld [smem:$0x3FB0]  }
0x2c: {  	s7 =	sld [smem:$0x3FB1]  }
0x2d: {  	s3 =	simm.s32 $0x108;
	s8 =	sld [smem:$0x3FB2]  }
0x2e: {  	s3 =	simm.s32 @!p0 $0x1082;
	s9 =	sld [smem:$0x3FB3]  }
0x2f: {  	lr =	sadd.s32 s0, s3;
	s0 =	sld [smem:$0x3FAA]  }
0x30: {  	s3 =	sld [smem:$0x3FAD]  }
0x31: {  	[smem:$0x3FB6] =	sst s10  }
0x32: {  	s10 =	sld [smem:$0x3FB4];
	_ =	sdelay $0x3  }
0x33: {  	p0 =	seq.s32 s10, $0x1;
	s10 =	sld [smem:$0x3FB6];
	_ =	sdelay $0x3  }
0x34: {  	[smem:$0x3FB6] =	sst s10  }
0x35: {  	s10 =	sld [smem:$0x3FB5];
	_ =	sdelay $0x3  }
0x36: {  	p1 =	seq.s32 s10, $0x1;
	s10 =	sld [smem:$0x3FB6];
	_ =	sdelay $0x3  }
0x37: {  	[smem:$0x3FB6] =	sst s10  }
0x38: {  	s10 =	sld [smem:$0x3FB7]  }
0x39: {  	_ = 	snop;
	(pc) =	sbr.ind lr, $3  }
0x3a: {  	_ = 	snop  }
0x3b: {  	_ = 	snop  }
0x3c: {  	p2 =	seq.s32 s10, $0x1;
	s10 =	sld [smem:$0x3FB6]  }
0x3d: {  	_ =	shalt  }
0x3e: {  	_ =	shalt  }
0x3f: {  	_ =	shalt  }
0x40: {  	_ =	shalt  }
0x41: {  	_ =	shalt  }
0x42: {  	_ =	shalt  }
0x43: {  	_ =	shalt  }
0x44: {  	_ =	shalt  }
0x45: {  	_ =	shalt  }
0x46: {  	_ =	shalt  }
0x47: {  	_ =	shalt  }
0x48: {  	_ =	shalt  }
0x49: {  	_ =	shalt  }
0x4a: {  	_ =	shalt  }
0x4b: {  	_ =	shalt  }
0x4c: {  	_ =	shalt  }
0x4d: {  	_ =	shalt  }
0x4e: {  	_ =	shalt  }
0x4f: {  	_ =	shalt  }
0x50: {  	_ =	shalt  }
0x51: {  	_ =	shalt  }
0x52: {  	_ =	shalt  }
0x53: {  	_ =	shalt  }
0x54: {  	_ =	shalt  }
0x55: {  	_ =	shalt  }
0x56: {  	_ =	shalt  }
0x57: {  	_ =	shalt  }
0x58: {  	_ =	shalt  }
0x59: {  	_ =	shalt  }
0x5a: {  	_ =	shalt  }
0x5b: {  	_ =	shalt  }
0x5c: {  	_ =	shalt  }
0x5d: {  	_ =	shalt  }
0x5e: {  	_ =	shalt  }
0x5f: {  	_ =	shalt  }
0x60: {  	_ =	shalt  }
0x61: {  	_ =	shalt  }
0x62: {  	_ =	shalt  }
0x63: {  	_ =	shalt  }
0x64: {  	_ =	shalt  }
0x65: {  	_ =	shalt  }
0x66: {  	_ =	shalt  }
0x67: {  	_ =	shalt  }
0x68: {  	_ =	shalt  }
0x69: {  	_ =	shalt  }
0x6a: {  	_ =	shalt  }
0x6b: {  	_ =	shalt  }
0x6c: {  	_ =	shalt  }
0x6d: {  	_ =	shalt  }
0x6e: {  	_ =	shalt  }
0x6f: {  	_ =	shalt  }
0x70: {  	_ =	shalt  }
0x71: {  	_ =	shalt  }
0x72: {  	_ =	shalt  }
0x73: {  	_ =	shalt  }
0x74: {  	_ =	shalt  }
0x75: {  	_ =	shalt  }
0x76: {  	_ =	shalt  }
0x77: {  	_ =	shalt  }
0x78: {  	_ =	shalt  }
0x79: {  	_ =	shalt  }
0x7a: {  	_ =	shalt  }
0x7b: {  	_ =	shalt  }
0x7c: {  	_ =	shalt  }
0x7d: {  	_ =	shalt  }
0x7e: {  	_ =	shalt  }
0x7f: {  	_ =	shalt  }
0x80: {  	_ =	shalt  }
0x81: {  	_ =	shalt  }
0x82: {  	_ =	shalt  }
0x83: {  	_ =	shalt  }
0x84: {  	_ =	shalt  }
0x85: {  	_ =	shalt  }
0x86: {  	_ =	shalt  }
0x87: {  	_ =	shalt  }
.Lfunc_end0:
.L_simem_size_0:
called_computation.1_lowered:
.L_overlay_start_0:
0x88: {  	s2 =	sld [smem:$0x3FD9]  }
0x89: {  	s3 =	sld [smem:$0x3FFE];
	_ =	sdelay $0x1  }
0x8a: {  	s1 =	srdreg.scid  }
0x8b: {  	s0 =	sand.u32 $0x1, s1  }
0x8c: {  	s16 =	sshll.u32 s0, $0xA;
	s2 =	sadd.s32 s3, s2  }
0x8d: {  	s2 =	sadd.s32 s2, s16  }
0x8e: {  	[smem:$0x3FC2] =	sst s2  }
0x8f: {  	_ = 	snop  }
0x90: {  	(tm) =	ssettm $0x1  }
0x91: {  	s17 =	sld [smem:$0x3FFB];
	_ =	sdelay $0x3  }
0x92: {  	_ =	strace s17  }
0x93: {  	s2 =	sld [smem:$0x3FFC];
	_ =	sdelay $0x3  }
0x94: {  	_ =	strace s2  }
0x95: {  	s2 =	sld [smem:$0x3FFD];
	_ =	sdelay $0x3  }
0x96: {  	_ =	strace s2  }
0x97: {  	_ =	strace $0x8FFFFFFF  }
0x98: {  	s18 =	sld [smem:$0x3FDB];
	_ =	sdelay $0x1  }
0x99: {  	s19 =	simm.s32 $_scs_section_size  }
0x9a: {  	s4 =	simm.s32 $_size__tile_overlayer_lowered;
	s5 =	simm.s32 $_tile_overlayer_lowered  }
0x9b: {  	s22 =	simm.s32 $0x1BFF;
	s21 =	sshll.u32 s5, $0x1;
	s2 =	sadd.s32 s19, s18  }
0x9c: {  	s6 =	simm.s32 $0x0;
	s20 =	sshll.u32 s4, $0x1;
	s4 =	sadd.s32 s21, s2  }
0x9d: {  	[timem:s6], [sflag:s22] =	dma.local [hbm:s4], s20  }
0x9e: {  	_ =	swait.ge [sflag:s22], s20  }
0x9f: {  	s3 =	ssub.s32 $0x0, s20;
	[sflag:s22] =	ssyncset.done $0x0  }
0xa0: {  	[sflag:s22] =	ssyncadd.s32 s3;
	_ =	sdelay $0x1  }
0xa1: {  	s23 =	simm.s32 $0x1B8B  }
0xa2: {  	_ =	swait.ge [sflag:s23], $0x1  }
0xa3: {  	[sflag:s23] =	ssyncset.done $0x0  }
0xa4: {  	s25 =	simm.s32 $0x1B8E;
	s24 =	sld [smem:$0x3FFE];
	[sflag:s23] =	ssyncadd.s32 $0xFFFFFFFF  }
0xa5: {  	s26 =	simm.s32 $execute0_lowered;
	[smem:$0x3FD2] =	sst s25  }
0xa6: {  	s4 =	sshll.u32 s26, $0x1;
	_ =	strace $0x80000049;
	[dreg:$0x1] =	wrdreg $0xFFFFFFFF  }
0xa7: {  	s28 =	simm.s32 $_size_execute0_lowered;
	s2 =	sadd.s32 s2, s4;
	[dreg:$0x0] =	wrdreg $0x0  }
0xa8: {  	s4 =	sshll.u32 s28, $0x1;
	[dreg:$0x2] =	wrdreg s2  }
0xa9: {  	[dreg:$0x3] =	wrdreg s4  }
0xaa: {  	[dreg:$0x4] =	wrdreg $0xC0  }
0xab: {  	_ =	task [dreg:s6], $0x5FFFF  }
0xac: {  	[dreg:$0x1] =	wrdreg $0xFFFFFFFF  }
0xad: {  	[dreg:$0x0] =	wrdreg $0x60  }
0xae: {  	[dreg:$0x2] =	wrdreg s24  }
0xaf: {  	[dreg:$0x3] =	wrdreg $0x90000  }
0xb0: {  	[dreg:$0x4] =	wrdreg $0x9  }
0xb1: {  	_ =	task.clear_ibuf [dreg:s6], $0x5FFFF;
	_ =	strace $0x90000049  }
0xb2: {  	s29 =	simm.s32 $0x9;
	_ =	strace $0x8000004B  }
0xb3: {  	_ =	swait.ge [sflag:s29], $0x1  }
0xb4: {  	[sflag:s29] =	ssyncadd.s32 $0xFFFFFFFF  }
0xb5: {  	_ =	strace $0x9000004B  }
0xb6: {  	_ =	sfence  }
0xb7: {  	s30 =	sld [smem:$0x0];
	_ =	sdelay $0x2  }
0xb8: {  	s31 =	sshll.u32 s1, $0xD;
	s1 =	sshrl.u32 s1, $0x2  }
0xb9: {  	s3 =	sand.u32 $0x4000, s31;
	s1 =	sadd.s32 s1, s30  }
0xba: {  	s0 =	sor.u32 s3, s0;
	s1 =	sshll.u32 s1, $0x11  }
0xbb: {  	s0 =	sor.u32 s1, s0  }
0xbc: {  	s0 =	sadd.s32 $0x8F2B, s0  }
0xbd: {  	[sflag:s0] =	ssyncadd.remote.s32 $0x1  }
0xbe: {  	_ =	sfence.sel $0xFFFF  }
0xbf: {  	[dreg:$0x0] =	wrdreg $0xFFFFFFFF;
	(pc) =	sbr.abs _section_cstart, $3  }
0xc0: {  	[dreg:$0x1] =	wrdreg $0xFFFFFFFF  }
0xc1: {  	_ =	task.clear_ibuf [dreg:s6], $0x2FFFF;
	_ =	strace $0x9FFFFFFF  }
0xc2: {  	(tm) =	ssettm $0x7FFFFFFF  }
0xc3: {  	_ =	shalt  }
tec
execute0_lowered:
.L_overlay_start_1:
0x0: {  	(tag) =	ssettag $0x1  }
0x1: {  	s7 =	rddreg [dreg:$0x0]  }
0x2: {  	s2 =	rddreg [dreg:$0x1]  }
0x3: {  	s0 =	rddreg [dreg:$0x2]  }
0x4: {  	s3 =	simm.s32 $0x0;
	s1 =	stileid.u32;
	s5 =	srdreg.scid  }
0x5: {  	[smem:$0x7FF] =	sst s3;
	s4 =	smul.u32 $0x500, s1  }
0x6: {  	s14 =	smul.u32 $0x2780, s1;
	s8 =	sand.u32 $0x1, s5;
	s13 =	sadd.s32 $0x7200, s7  }
0x7: {  	s6 =	smul.u32 $0x4F000, s1;
	s16 =	sadd.s32 $0x7DA00, s7;
	s31 =	sshll.u32 s1, $0x6  }
0x8: {  	_ =	strace $0x8000004A;
	s5 =	ssub.s32 $0x2, s8;
	p0 =	seq.s32 s8, $0x0  }
0x9: {  	s8 =	simm.s32 $0x1;
	s9 =	sadd.s32 s4, s7;
	s10 =	sadd.s32 s14, s7  }
0xa: {  	s30 =	sshrl.u32 s5, $0x1;
	s6 =	sshrl.u32 s6, $0x2;
	s15 =	sadd.s32 s13, s14  }
0xb: {  	s11 =	ssub.s32 s5, s30;
	s4 =	sadd.s32 $0xCCA00, s9;
	s5 =	sadd.s32 $0x2200, s9  }
0xc: {  	s12 =	sadd.s32 s6, s2;
	s6 =	sadd.s32 $0x2EA00, s7;
	s17 =	sadd.s32 $0x56200, s10  }
0xd: {  	s9 =	simm.s32 $0x2800;
	s7 =	smax.u32 s11, $0x1;
	s10 =	sadd.s32 @!p0 s14, s6  }
0xe: {  	s11 =	sor.u32 $0x1C01, s31;
	s12 =	sshrl.u32 s12, $0x3;
	s6 =	smov.u32 @p0 s13  }
0xf: {  	s13 =	simm.s32 $0x80;
	s14 =	sadd.s32 @!p0 s14, s16;
	s16 =	simm.s32 $0x0  }
0x10: {  	s10 =	smov.u32 @p0 s15;
	s15 =	simm.s32 $0x5000;
	s14 =	smov.u32 @p0 s17  }
.LBB2_1:
0x11: {  	[tilespmem:s3], [sflag:$0x1] =	stream.linear.gather [hbm4b:s4+s3], $0x2800, $0x38;
	[tilespmem:$0x1CC00] =	vst v63  }
0x12: {  	_ =	swait.ge [sflag:s8], $0x2800  }
0x13: {  	[sflag:s8] =	ssyncset.done $0x0  }
0x14: {  	[sflag:s8] =	ssyncadd.s32 $0xFFFFD800  }
0x15: {  	[tilespmem:s9], [sflag:$0x1] =	stream.linear.gather [hbm4b:s5+s3], $0x2800, $0x38;
	[tilespmem:$0x1CC00] =	vst v63  }
0x16: {  	_ =	swait.ge [sflag:s8], $0x2800  }
0x17: {  	[sflag:s8] =	ssyncset.done $0x0  }
0x18: {  	[sflag:s8] =	ssyncadd.s32 $0xFFFFD800  }
0x19: {  	[spmem:s12], [sflag:s11] =	dma.local [hbm:s10], $0x2780  }
0x1a: {  	_ =	swait.ge [sflag:s8], $0x2780  }
0x1b: {  	[sflag:s8] =	ssyncset.done $0x0  }
0x1c: {  	[sflag:s8] =	ssyncadd.s32 $0xFFFFD880  }
0x1d: {  	s17 =	simm.s32 $0x0;
	[bflag:$0x0] =	sbarrier.arrive $0xFFFF  }
0x1e: {  	[tilespmem:s15], [sflag:$0x1] =	stream.indirect.gather [hbm4b:s6+s13], $0x80, s17, s13, $0xb8;
	[tilespmem:$0x1CC00] =	vst v63  }
0x1f: {  	_ =	swait.ge [sflag:s8], $0x4000  }
0x20: {  	[sflag:s8] =	ssyncset.done $0x0  }
0x21: {  	s31 =	simm.s32 $0x2800;
	[sflag:s8] =	ssyncadd.s32 $0xFFFFC000  }
0x22: {  	[spmem:s2] =	stream.indirect.scatter.add.f32 [tilespmem:s15], [sflag:$0x1], $0x80, s31, s13, $0xb8;
	[tilespmem:$0x1CC00] =	vst v63  }
0x23: {  	_ =	swait.ge [sflag:s8], $0x4000  }
0x24: {  	s18 =	simm.s32 $0x400;
	s17 =	simm.s32 $0x200;
	[sflag:s8] =	ssyncset.done $0x0  }
.LBB2_2:
0x25: {  	s19 =	sshra.s32 s17, $0x2  }
0x26: {  	[sflag:s8] =	ssyncadd.s32 $0xFFFFC000;
	s17 =	smov.u32 s18;
	s18 =	sadd.s32 $0x200, s18  }
0x27: {  	[tilespmem:s15], [sflag:$0x1] =	stream.indirect.gather [hbm4b:s6+s13], $0x80, s19, s13, $0xb8;
	[tilespmem:$0x1CC00] =	vst v63  }
0x28: {  	p0 =	sne.s32 s18, $0xA000;
	_ =	swait.ge [sflag:s8], $0x4000  }
.Ltmp0:
0x29: {  	[sflag:s8] =	ssyncset.done $0x0;
	(pc) =	sbr.rel @p0 .LBB2_2-.Ltmp0, $4  }
0x2a: {  	s19 =	sadd.s32 $0x2800, s19;
	[sflag:s8] =	ssyncadd.s32 $0xFFFFC000  }
0x2b: {  	[spmem:s2] =	stream.indirect.scatter.add.f32 [tilespmem:s15], [sflag:$0x1], $0x80, s19, s13, $0xb8;
	[tilespmem:$0x1CC00] =	vst v63  }
0x2c: {  	_ =	swait.ge [sflag:s8], $0x4000  }
0x2d: {  	[sflag:s8] =	ssyncset.done $0x0  }
0x2e: {  	s17 =	sshra.s32 s17, $0x2;
	[sflag:s8] =	ssyncadd.s32 $0xFFFFC000  }
0x2f: {  	[tilespmem:s15], [sflag:$0x1] =	stream.indirect.gather [hbm4b:s6+s13], $0x80, s17, s13, $0xb8;
	[tilespmem:$0x1CC00] =	vst v63  }
0x30: {  	_ =	swait.ge [sflag:s8], $0x4000  }
0x31: {  	[sflag:s8] =	ssyncset.done $0x0  }
0x32: {  	s17 =	sadd.s32 $0x2800, s17;
	[sflag:s8] =	ssyncadd.s32 $0xFFFFC000  }
0x33: {  	[spmem:s2] =	stream.indirect.scatter.add.f32 [tilespmem:s15], [sflag:$0x1], $0x80, s17, s13, $0xb8;
	[tilespmem:$0x1CC00] =	vst v63  }
0x34: {  	_ =	swait.ge [sflag:s8], $0x4000  }
0x35: {  	s16 =	sadd.s32 $0x1, s16;
	[sflag:s8] =	ssyncset.done $0x0  }
0x36: {  	p0 =	sne.s32 s16, s7;
	[sflag:s8] =	ssyncadd.s32 $0xFFFFC000  }
.Ltmp1:
0x37: {  	[bflag:$0x0] =	sbarrier.arrive $0xFFFF;
	(pc) =	sbr.rel @p0 .LBB2_1-.Ltmp1, $4  }
0x38: {  	[hbm:s14], [sflag:s11] =	dma.local [spmem:s12], $0x2780  }
0x39: {  	_ =	swait.ge [sflag:s8], $0x2780  }
0x3a: {  	[sflag:s8] =	ssyncset.done $0x0  }
0x3b: {  	[sflag:s8] =	ssyncadd.s32 $0xFFFFD880  }
0x3c: {  	_ =	sfence.sel $0x180000  }
0x3d: {  	[bflag:$0x0] =	sbarrier.arrive $0xFFFF  }
0x3e: {  	p0 =	sne.s32 s1, $0x0;
	_ =	strace $0x9000004A  }
0x3f: {  	s0 =	sadd.s32 @!p0 $0x100000, s0;
	[bflag:$0x2] =	sbarrier.arrive $0xFFFF  }
0x40: {  	[sflag:s0] =	ssyncadd.tile.s32 @!p0 $0x1;
	_ =	shalt  }
.Lfunc_end2:
_tile_overlayer_lowered:
.L_overlay_start_2:
0x41: {  	(tag) =	ssettag $0x2  }
0x42: {  	s0 =	rddreg [dreg:$0x0];
	s2 =	stileid.u32  }
0x43: {  	s1 =	rddreg [dreg:$0x1];
	p0 =	sne.s32 s2, $0x0  }
0x44: {  	s3 =	rddreg [dreg:$0x2];
	[bflag:$0x3] =	sbarrier.arrive $0xFFFF;
	s2 =	simm.s32 @!p0 $0x1C01  }
0x45: {  	[timem:s3], [sflag:s2] =	dma.local @!p0 [hbm:s0], s1  }
0x46: {  	s0 =	simm.s32 @!p0 $0x1  }
0x47: {  	_ =	swait.ge @!p0 [sflag:s0], s1  }
0x48: {  	s1 =	ssub.s32 @!p0 $0x0, s1;
	[sflag:s0] =	ssyncset.done @!p0 $0x0  }
0x49: {  	[sflag:s0] =	ssyncadd.s32 @!p0 s1  }
0x4a: {  	[bflag:$0x3] =	sbarrier.arrive $0xFFFF  }
0x4b: {  	_ =	shalt  }

// kernel: kernel.14.cloned.1.call-start
scs
__scs_entry_jumppad:
0x0: {  	(pc) =	sbr.rel $0x88, $3  }
0x1: {  	(tag) =	ssettag $0x0;
	lr =	simm.s32 $0x1  }
0x2: {  	[smem:$0x3F9B] =	sst lr;
	_ =	strace $0xD0000000  }
0x3: {  	_ = 	snop  }
0x4: {  	_ = 	snop  }
0x5: {  	_ = 	snop  }
0x6: {  	_ = 	snop  }
0x7: {  	_ = 	snop  }
__scs_overlays_trampoline_lowered:
0x8: {  	[smem:$0x3FAA] =	sst s0  }
0x9: {  	[smem:$0x3FAB] =	sst s1  }
0xa: {  	[smem:$0x3FAC] =	sst s2  }
0xb: {  	[smem:$0x3FAD] =	sst s3  }
0xc: {  	[smem:$0x3FAE] =	sst s4  }
0xd: {  	[smem:$0x3FAF] =	sst s5  }
0xe: {  	[smem:$0x3FB0] =	sst s6  }
0xf: {  	[smem:$0x3FB1] =	sst s7  }
0x10: {  	[smem:$0x3FB2] =	sst s8  }
0x11: {  	[smem:$0x3FB3] =	sst s9;
	s0 =	simm.s32 @!p0 $0x0  }
0x12: {  	s1 =	sld [smem:$0x3F99];
	s0 =	simm.s32 @p0 $0x1  }
0x13: {  	[smem:$0x3FB4] =	sst s0;
	s0 =	simm.s32 @!p1 $0x0  }
0x14: {  	s2 =	sld [smem:$0x3F98];
	s0 =	simm.s32 @p1 $0x1  }
0x15: {  	[smem:$0x3FB5] =	sst s0;
	s0 =	simm.s32 @!p2 $0x0  }
0x16: {  	s3 =	sld [smem:$0x3FDB];
	s0 =	simm.s32 @p2 $0x1  }
0x17: {  	s4 =	simm.s32 $0x1BF5;
	[smem:$0x3FB7] =	sst s0  }
0x18: {  	s0 =	sld [smem:$0x3F9A];
	_ =	swait.ge [sflag:s4], $0x0  }
0x19: {  	s7 =	sld [smem:$0x3F9B]  }
0x1a: {  	s8 =	sadd.s32 $0xFFFFE003, lr  }
0x1b: {  	s9 =	sadd.s32 $0xFFFFFEF7, lr;
	s5 =	simm.s32 $0xFFFFFFFF;
	p2 =	slt.u32 s8, $0xFFFFF086  }
0x1c: {  	p1 =	slt.u32 s9, $0xF7A;
	s5 =	simm.s32 @!p2 $0x0  }
0x1d: {  	s5 =	simm.s32 @p1 $0x1;
	p0 =	seq.s32 s7, s2  }
0x1e: {  	s7 =	smul.u32 @!p0 $0xF7A, s2;
	p2 =	seq.s32 @!p0 s5, $0x0  }
0x1f: {  	s9 =	smul.u32 $0xF7A, s1;
	s8 =	simm.s32 @!p0 $0x1BF5;
	p2 =	por !p2, p0  }
0x20: {  	[sflag:s8] =	ssyncset.s32 @!p0 $0xFFFFF086;
	s6 =	sadd.s32 @!p0 s3, s7;
	s7 =	simm.s32 @!p0 $0x108  }
0x21: {  	s3 =	sadd.s32 s3, s9;
	s6 =	sadd.s32 @!p0 $0x88, s6;
	s7 =	simm.s32 @p2 $0x1082  }
0x22: {  	[simem:s7], [sflag:s8] =	dma.local @!p0 [hbm:s6], $0xF7A  }
0x23: {  	s9 =	sor.u32 $0xD0000000, s2;
	s6 =	simm.s32 $0x108;
	_ =	swait.ge @!p0 [sflag:s8], $0x0  }
0x24: {  	s3 =	sadd.s32 $0x88, s3;
	s6 =	simm.s32 @!p1 $0x1082;
	[sflag:s4] =	ssyncset.s32 $0xFFFFF086  }
0x25: {  	[simem:s6], [sflag:s4] =	dma.local [hbm:s3], $0xF7A  }
0x26: {  	[smem:$0x3F9B] =	sst s1;
	(tag) =	ssettag s2;
	_ =	strace s9  }
0x27: {  	s1 =	sld [smem:$0x3FAB]  }
0x28: {  	s2 =	sld [smem:$0x3FAC]  }
0x29: {  	s4 =	sld [smem:$0x3FAE]  }
0x2a: {  	p0 =	seq.s32 s5, $0x0;
	s5 =	sld [smem:$0x3FAF]  }
0x2b: {  	s6 =	sld [smem:$0x3FB0]  }
0x2c: {  	s7 =	sld [smem:$0x3FB1]  }
0x2d: {  	s3 =	simm.s32 $0x108;
	s8 =	sld [smem:$0x3FB2]  }
0x2e: {  	s3 =	simm.s32 @!p0 $0x1082;
	s9 =	sld [smem:$0x3FB3]  }
0x2f: {  	lr =	sadd.s32 s0, s3;
	s0 =	sld [smem:$0x3FAA]  }
0x30: {  	s3 =	sld [smem:$0x3FAD]  }
0x31: {  	[smem:$0x3FB6] =	sst s10  }
0x32: {  	s10 =	sld [smem:$0x3FB4];
	_ =	sdelay $0x3  }
0x33: {  	p0 =	seq.s32 s10, $0x1;
	s10 =	sld [smem:$0x3FB6];
	_ =	sdelay $0x3  }
0x34: {  	[smem:$0x3FB6] =	sst s10  }
0x35: {  	s10 =	sld [smem:$0x3FB5];
	_ =	sdelay $0x3  }
0x36: {  	p1 =	seq.s32 s10, $0x1;
	s10 =	sld [smem:$0x3FB6];
	_ =	sdelay $0x3  }
0x37: {  	[smem:$0x3FB6] =	sst s10  }
0x38: {  	s10 =	sld [smem:$0x3FB7]  }
0x39: {  	_ = 	snop;
	(pc) =	sbr.ind lr, $3  }
0x3a: {  	_ = 	snop  }
0x3b: {  	_ = 	snop  }
0x3c: {  	p2 =	seq.s32 s10, $0x1;
	s10 =	sld [smem:$0x3FB6]  }
0x3d: {  	_ =	shalt  }
0x3e: {  	_ =	shalt  }
0x3f: {  	_ =	shalt  }
0x40: {  	_ =	shalt  }
0x41: {  	_ =	shalt  }
0x42: {  	_ =	shalt  }
0x43: {  	_ =	shalt  }
0x44: {  	_ =	shalt  }
0x45: {  	_ =	shalt  }
0x46: {  	_ =	shalt  }
0x47: {  	_ =	shalt  }
0x48: {  	_ =	shalt  }
0x49: {  	_ =	shalt  }
0x4a: {  	_ =	shalt  }
0x4b: {  	_ =	shalt  }
0x4c: {  	_ =	shalt  }
0x4d: {  	_ =	shalt  }
0x4e: {  	_ =	shalt  }
0x4f: {  	_ =	shalt  }
0x50: {  	_ =	shalt  }
0x51: {  	_ =	shalt  }
0x52: {  	_ =	shalt  }
0x53: {  	_ =	shalt  }
0x54: {  	_ =	shalt  }
0x55: {  	_ =	shalt  }
0x56: {  	_ =	shalt  }
0x57: {  	_ =	shalt  }
0x58: {  	_ =	shalt  }
0x59: {  	_ =	shalt  }
0x5a: {  	_ =	shalt  }
0x5b: {  	_ =	shalt  }
0x5c: {  	_ =	shalt  }
0x5d: {  	_ =	shalt  }
0x5e: {  	_ =	shalt  }
0x5f: {  	_ =	shalt  }
0x60: {  	_ =	shalt  }
0x61: {  	_ =	shalt  }
0x62: {  	_ =	shalt  }
0x63: {  	_ =	shalt  }
0x64: {  	_ =	shalt  }
0x65: {  	_ =	shalt  }
0x66: {  	_ =	shalt  }
0x67: {  	_ =	shalt  }
0x68: {  	_ =	shalt  }
0x69: {  	_ =	shalt  }
0x6a: {  	_ =	shalt  }
0x6b: {  	_ =	shalt  }
0x6c: {  	_ =	shalt  }
0x6d: {  	_ =	shalt  }
0x6e: {  	_ =	shalt  }
0x6f: {  	_ =	shalt  }
0x70: {  	_ =	shalt  }
0x71: {  	_ =	shalt  }
0x72: {  	_ =	shalt  }
0x73: {  	_ =	shalt  }
0x74: {  	_ =	shalt  }
0x75: {  	_ =	shalt  }
0x76: {  	_ =	shalt  }
0x77: {  	_ =	shalt  }
0x78: {  	_ =	shalt  }
0x79: {  	_ =	shalt  }
0x7a: {  	_ =	shalt  }
0x7b: {  	_ =	shalt  }
0x7c: {  	_ =	shalt  }
0x7d: {  	_ =	shalt  }
0x7e: {  	_ =	shalt  }
0x7f: {  	_ =	shalt  }
0x80: {  	_ =	shalt  }
0x81: {  	_ =	shalt  }
0x82: {  	_ =	shalt  }
0x83: {  	_ =	shalt  }
0x84: {  	_ =	shalt  }
0x85: {  	_ =	shalt  }
0x86: {  	_ =	shalt  }
0x87: {  	_ =	shalt  }
.Lfunc_end0:
.L_simem_size_0:
called_computation.2_lowered:
.L_overlay_start_0:
0x88: {  	s2 =	sld [smem:$0x3FD9]  }
0x89: {  	s3 =	sld [smem:$0x3FFE];
	_ =	sdelay $0x1  }
0x8a: {  	s1 =	srdreg.scid  }
0x8b: {  	s0 =	sand.u32 $0x1, s1  }
0x8c: {  	s16 =	sshll.u32 s0, $0xA;
	s2 =	sadd.s32 s3, s2  }
0x8d: {  	s2 =	sadd.s32 s2, s16  }
0x8e: {  	[smem:$0x3FC2] =	sst s2  }
0x8f: {  	_ = 	snop  }
0x90: {  	(tm) =	ssettm $0x1  }
0x91: {  	s17 =	sld [smem:$0x3FFB];
	_ =	sdelay $0x3  }
0x92: {  	_ =	strace s17  }
0x93: {  	s2 =	sld [smem:$0x3FFC];
	_ =	sdelay $0x3  }
0x94: {  	_ =	strace s2  }
0x95: {  	s2 =	sld [smem:$0x3FFD];
	_ =	sdelay $0x3  }
0x96: {  	_ =	strace s2  }
0x97: {  	_ =	strace $0x8FFFFFFF  }
0x98: {  	s18 =	sld [smem:$0x3FDB];
	_ =	sdelay $0x1  }
0x99: {  	s19 =	simm.s32 $_scs_section_size  }
0x9a: {  	s4 =	simm.s32 $_size__tile_overlayer_lowered;
	s5 =	simm.s32 $_tile_overlayer_lowered  }
0x9b: {  	s22 =	simm.s32 $0x1BFF;
	s21 =	sshll.u32 s5, $0x1;
	s2 =	sadd.s32 s19, s18  }
0x9c: {  	s6 =	simm.s32 $0x0;
	s20 =	sshll.u32 s4, $0x1;
	s4 =	sadd.s32 s21, s2  }
0x9d: {  	[timem:s6], [sflag:s22] =	dma.local [hbm:s4], s20  }
0x9e: {  	_ =	swait.ge [sflag:s22], s20  }
0x9f: {  	s3 =	ssub.s32 $0x0, s20;
	[sflag:s22] =	ssyncset.done $0x0  }
0xa0: {  	[sflag:s22] =	ssyncadd.s32 s3;
	_ =	sdelay $0x1  }
0xa1: {  	s23 =	simm.s32 $0x1B8B  }
0xa2: {  	_ =	swait.ge [sflag:s23], $0x1  }
0xa3: {  	[sflag:s23] =	ssyncset.done $0x0  }
0xa4: {  	s25 =	simm.s32 $0x1B8E;
	s24 =	sld [smem:$0x3FFE];
	[sflag:s23] =	ssyncadd.s32 $0xFFFFFFFF  }
0xa5: {  	s26 =	simm.s32 $execute0_lowered;
	[smem:$0x3FD2] =	sst s25  }
0xa6: {  	s4 =	sshll.u32 s26, $0x1;
	_ =	strace $0x8000004C;
	[dreg:$0x1] =	wrdreg $0xFFFFFFFF  }
0xa7: {  	s28 =	simm.s32 $_size_execute0_lowered;
	s2 =	sadd.s32 s2, s4;
	[dreg:$0x0] =	wrdreg $0x0  }
0xa8: {  	s4 =	sshll.u32 s28, $0x1;
	[dreg:$0x2] =	wrdreg s2  }
0xa9: {  	[dreg:$0x3] =	wrdreg s4  }
0xaa: {  	[dreg:$0x4] =	wrdreg $0xC0  }
0xab: {  	_ =	task [dreg:s6], $0x5FFFF  }
0xac: {  	[dreg:$0x1] =	wrdreg $0xFFFFFFFF  }
0xad: {  	[dreg:$0x0] =	wrdreg $0x60  }
0xae: {  	[dreg:$0x2] =	wrdreg s24  }
0xaf: {  	[dreg:$0x3] =	wrdreg $0x68000  }
0xb0: {  	[dreg:$0x4] =	wrdreg $0x9  }
0xb1: {  	_ =	task.clear_ibuf [dreg:s6], $0x5FFFF;
	_ =	strace $0x9000004C  }
0xb2: {  	s29 =	simm.s32 $0x9;
	_ =	strace $0x8000004E  }
0xb3: {  	_ =	swait.ge [sflag:s29], $0x1  }
0xb4: {  	[sflag:s29] =	ssyncadd.s32 $0xFFFFFFFF  }
0xb5: {  	_ =	strace $0x9000004E  }
0xb6: {  	_ =	sfence  }
0xb7: {  	s30 =	sld [smem:$0x0];
	_ =	sdelay $0x2  }
0xb8: {  	s31 =	sshll.u32 s1, $0xD;
	s1 =	sshrl.u32 s1, $0x2  }
0xb9: {  	s3 =	sand.u32 $0x4000, s31;
	s1 =	sadd.s32 s1, s30  }
0xba: {  	s0 =	sor.u32 s3, s0;
	s1 =	sshll.u32 s1, $0x11  }
0xbb: {  	s0 =	sor.u32 s1, s0  }
0xbc: {  	s0 =	sadd.s32 $0x8F2B, s0  }
0xbd: {  	[sflag:s0] =	ssyncadd.remote.s32 $0x1  }
0xbe: {  	_ =	sfence.sel $0xFFFF  }
0xbf: {  	[dreg:$0x0] =	wrdreg $0xFFFFFFFF;
	(pc) =	sbr.abs _section_cstart, $3  }
0xc0: {  	[dreg:$0x1] =	wrdreg $0xFFFFFFFF  }
0xc1: {  	_ =	task.clear_ibuf [dreg:s6], $0x2FFFF;
	_ =	strace $0x9FFFFFFF  }
0xc2: {  	(tm) =	ssettm $0x7FFFFFFF  }
0xc3: {  	_ =	shalt  }
tec
execute0_lowered:
.L_overlay_start_1:
0x0: {  	(tag) =	ssettag $0x1  }
0x1: {  	s7 =	rddreg [dreg:$0x0];
	s1 =	srdreg.scid  }
0x2: {  	s0 =	stileid.u32;
	s2 =	rddreg [dreg:$0x1];
	s3 =	simm.s32 $0x0  }
0x3: {  	s8 =	sand.u32 $0x1, s1;
	s1 =	rddreg [dreg:$0x2];
	s14 =	smul.u32 $0x2780, s0  }
0x4: {  	s4 =	sshll.u32 s0, $0x1;
	[smem:$0x7FF] =	sst s3;
	s9 =	smul.u32 $0x4F000, s0  }
0x5: {  	s10 =	sadd.s32 $0x2EA00, s7;
	s15 =	sadd.s32 $0x7DA00, s7;
	s31 =	sshll.u32 s0, $0x6  }
0x6: {  	s4 =	sor.u32 s8, s4;
	_ =	strace $0x8000004D;
	s30 =	ssub.s32 $0x2, s8  }
0x7: {  	p0 =	seq.s32 s8, $0x0;
	s5 =	smul.u32 $0x280, s4;
	s4 =	sadd.s32 $0x7200, s7  }
0x8: {  	s11 =	sadd.s32 s14, s7;
	s12 =	sshrl.u32 s30, $0x1;
	s9 =	sshrl.u32 s9, $0x2  }
0x9: {  	s12 =	ssub.s32 s30, s12;
	s13 =	sadd.s32 s9, s2;
	s16 =	sadd.s32 $0x56200, s11  }
0xa: {  	s10 =	smov.u32 @p0 s4;
	s9 =	simm.s32 $0x1;
	s11 =	sor.u32 $0x1C01, s31  }
0xb: {  	s6 =	sadd.s32 s5, s7;
	s7 =	smax.u32 s12, $0x1;
	s8 =	sadd.s32 s10, s14  }
0xc: {  	s10 =	simm.s32 $0x1400;
	s12 =	sshrl.u32 s13, $0x3;
	s13 =	simm.s32 $0x80  }
0xd: {  	s14 =	sadd.s32 @!p0 s14, s15;
	s15 =	simm.s32 $0x2800;
	s5 =	sadd.s32 $0xCCA00, s6  }
0xe: {  	s6 =	sadd.s32 $0x2200, s6;
	s14 =	smov.u32 @p0 s16;
	s16 =	simm.s32 $0x0  }
.LBB2_1:
0xf: {  	[tilespmem:s3], [sflag:$0x1] =	stream.linear.gather [hbm4b:s5+s3], $0x1400, $0x38;
	[tilespmem:$0x1A400] =	vst v63  }
0x10: {  	_ =	swait.ge [sflag:s9], $0x1400  }
0x11: {  	[sflag:s9] =	ssyncset.done $0x0  }
0x12: {  	[sflag:s9] =	ssyncadd.s32 $0xFFFFEC00  }
0x13: {  	[tilespmem:s10], [sflag:$0x1] =	stream.linear.gather [hbm4b:s6+s3], $0x1400, $0x38;
	[tilespmem:$0x1A400] =	vst v63  }
0x14: {  	_ =	swait.ge [sflag:s9], $0x1400  }
0x15: {  	[sflag:s9] =	ssyncset.done $0x0  }
0x16: {  	[sflag:s9] =	ssyncadd.s32 $0xFFFFEC00  }
0x17: {  	[spmem:s12], [sflag:s11] =	dma.local [hbm:s8], $0x2780  }
0x18: {  	_ =	swait.ge [sflag:s9], $0x2780  }
0x19: {  	[sflag:s9] =	ssyncset.done $0x0  }
0x1a: {  	[sflag:s9] =	ssyncadd.s32 $0xFFFFD880  }
0x1b: {  	s17 =	simm.s32 $0x0;
	[bflag:$0x0] =	sbarrier.arrive $0xFFFF  }
0x1c: {  	[tilespmem:s15], [sflag:$0x1] =	stream.indirect.gather [hbm4b:s4+s13], $0x80, s17, s13, $0xb8;
	[tilespmem:$0x1A400] =	vst v63  }
0x1d: {  	_ =	swait.ge [sflag:s9], $0x4000  }
0x1e: {  	[sflag:s9] =	ssyncset.done $0x0  }
0x1f: {  	s31 =	simm.s32 $0x1400;
	[sflag:s9] =	ssyncadd.s32 $0xFFFFC000  }
0x20: {  	[spmem:s2] =	stream.indirect.scatter.add.f32 [tilespmem:s15], [sflag:$0x1], $0x80, s31, s13, $0xb8;
	[tilespmem:$0x1A400] =	vst v63  }
0x21: {  	_ =	swait.ge [sflag:s9], $0x4000  }
0x22: {  	s18 =	simm.s32 $0x400;
	s17 =	simm.s32 $0x200;
	[sflag:s9] =	ssyncset.done $0x0  }
.LBB2_2:
0x23: {  	s19 =	sshra.s32 s17, $0x2  }
0x24: {  	[sflag:s9] =	ssyncadd.s32 $0xFFFFC000;
	s17 =	smov.u32 s18;
	s20 =	sadd.s32 $0x200, s18  }
0x25: {  	[tilespmem:s15], [sflag:$0x1] =	stream.indirect.gather [hbm4b:s4+s13], $0x80, s19, s13, $0xb8;
	[tilespmem:$0x1A400] =	vst v63  }
0x26: {  	p0 =	sne.s32 s18, $0x4E00;
	_ =	swait.ge [sflag:s9], $0x4000  }
.Ltmp0:
0x27: {  	[sflag:s9] =	ssyncset.done $0x0;
	(pc) =	sbr.rel @p0 .LBB2_2-.Ltmp0, $4  }
0x28: {  	s18 =	sadd.s32 $0x1400, s19;
	[sflag:s9] =	ssyncadd.s32 $0xFFFFC000  }
0x29: {  	[spmem:s2] =	stream.indirect.scatter.add.f32 [tilespmem:s15], [sflag:$0x1], $0x80, s18, s13, $0xb8;
	[tilespmem:$0x1A400] =	vst v63  }
0x2a: {  	_ =	swait.ge [sflag:s9], $0x4000  }
0x2b: {  	s18 =	smov.u32 s20;
	[sflag:s9] =	ssyncset.done $0x0  }
0x2c: {  	s17 =	sshra.s32 s17, $0x2;
	[sflag:s9] =	ssyncadd.s32 $0xFFFFC000  }
0x2d: {  	[tilespmem:s15], [sflag:$0x1] =	stream.indirect.gather [hbm4b:s4+s13], $0x80, s17, s13, $0xb8;
	[tilespmem:$0x1A400] =	vst v63  }
0x2e: {  	_ =	swait.ge [sflag:s9], $0x4000  }
0x2f: {  	[sflag:s9] =	ssyncset.done $0x0  }
0x30: {  	s17 =	sadd.s32 $0x1400, s17;
	[sflag:s9] =	ssyncadd.s32 $0xFFFFC000  }
0x31: {  	[spmem:s2] =	stream.indirect.scatter.add.f32 [tilespmem:s15], [sflag:$0x1], $0x80, s17, s13, $0xb8;
	[tilespmem:$0x1A400] =	vst v63  }
0x32: {  	_ =	swait.ge [sflag:s9], $0x4000  }
0x33: {  	s16 =	sadd.s32 $0x1, s16;
	[sflag:s9] =	ssyncset.done $0x0  }
0x34: {  	p0 =	sne.s32 s16, s7;
	[sflag:s9] =	ssyncadd.s32 $0xFFFFC000  }
.Ltmp1:
0x35: {  	[bflag:$0x0] =	sbarrier.arrive $0xFFFF;
	(pc) =	sbr.rel @p0 .LBB2_1-.Ltmp1, $4  }
0x36: {  	[hbm:s14], [sflag:s11] =	dma.local [spmem:s12], $0x2780  }
0x37: {  	_ =	swait.ge [sflag:s9], $0x2780  }
0x38: {  	[sflag:s9] =	ssyncset.done $0x0  }
0x39: {  	[sflag:s9] =	ssyncadd.s32 $0xFFFFD880  }
0x3a: {  	_ =	sfence.sel $0x180000  }
0x3b: {  	[bflag:$0x0] =	sbarrier.arrive $0xFFFF  }
0x3c: {  	p0 =	sne.s32 s0, $0x0;
	_ =	strace $0x9000004D  }
0x3d: {  	s0 =	sadd.s32 @!p0 $0x100000, s1;
	[bflag:$0x2] =	sbarrier.arrive $0xFFFF  }
0x3e: {  	[sflag:s0] =	ssyncadd.tile.s32 @!p0 $0x1;
	_ =	shalt  }
.Lfunc_end2:
_tile_overlayer_lowered:
.L_overlay_start_2:
0x3f: {  	(tag) =	ssettag $0x2  }
0x40: {  	s0 =	rddreg [dreg:$0x0];
	s2 =	stileid.u32  }
0x41: {  	s1 =	rddreg [dreg:$0x1];
	p0 =	sne.s32 s2, $0x0  }
0x42: {  	s3 =	rddreg [dreg:$0x2];
	[bflag:$0x3] =	sbarrier.arrive $0xFFFF;
	s2 =	simm.s32 @!p0 $0x1C01  }
0x43: {  	[timem:s3], [sflag:s2] =	dma.local @!p0 [hbm:s0], s1  }
0x44: {  	s0 =	simm.s32 @!p0 $0x1  }
0x45: {  	_ =	swait.ge @!p0 [sflag:s0], s1  }
0x46: {  	s1 =	ssub.s32 @!p0 $0x0, s1;
	[sflag:s0] =	ssyncset.done @!p0 $0x0  }
0x47: {  	[sflag:s0] =	ssyncadd.s32 @!p0 s1  }
0x48: {  	[bflag:$0x3] =	sbarrier.arrive $0xFFFF  }
0x49: {  	_ =	shalt  }

// kernel: kernel.8.cloned.1.call-start
scs
__scs_entry_jumppad:
0x0: {  	(pc) =	sbr.rel $0x88, $3  }
0x1: {  	(tag) =	ssettag $0x0;
	lr =	simm.s32 $0x1  }
0x2: {  	[smem:$0x3F9B] =	sst lr;
	_ =	strace $0xD0000000  }
0x3: {  	_ = 	snop  }
0x4: {  	_ = 	snop  }
0x5: {  	_ = 	snop  }
0x6: {  	_ = 	snop  }
0x7: {  	_ = 	snop  }
__scs_overlays_trampoline_lowered:
0x8: {  	[smem:$0x3FAA] =	sst s0  }
0x9: {  	[smem:$0x3FAB] =	sst s1  }
0xa: {  	[smem:$0x3FAC] =	sst s2  }
0xb: {  	[smem:$0x3FAD] =	sst s3  }
0xc: {  	[smem:$0x3FAE] =	sst s4  }
0xd: {  	[smem:$0x3FAF] =	sst s5  }
0xe: {  	[smem:$0x3FB0] =	sst s6  }
0xf: {  	[smem:$0x3FB1] =	sst s7  }
0x10: {  	[smem:$0x3FB2] =	sst s8  }
0x11: {  	[smem:$0x3FB3] =	sst s9;
	s0 =	simm.s32 @!p0 $0x0  }
0x12: {  	s1 =	sld [smem:$0x3F99];
	s0 =	simm.s32 @p0 $0x1  }
0x13: {  	[smem:$0x3FB4] =	sst s0;
	s0 =	simm.s32 @!p1 $0x0  }
0x14: {  	s2 =	sld [smem:$0x3F98];
	s0 =	simm.s32 @p1 $0x1  }
0x15: {  	[smem:$0x3FB5] =	sst s0;
	s0 =	simm.s32 @!p2 $0x0  }
0x16: {  	s3 =	sld [smem:$0x3FDB];
	s0 =	simm.s32 @p2 $0x1  }
0x17: {  	s4 =	simm.s32 $0x1BF5;
	[smem:$0x3FB7] =	sst s0  }
0x18: {  	s0 =	sld [smem:$0x3F9A];
	_ =	swait.ge [sflag:s4], $0x0  }
0x19: {  	s7 =	sld [smem:$0x3F9B]  }
0x1a: {  	s8 =	sadd.s32 $0xFFFFE003, lr  }
0x1b: {  	s9 =	sadd.s32 $0xFFFFFEF7, lr;
	s5 =	simm.s32 $0xFFFFFFFF;
	p2 =	slt.u32 s8, $0xFFFFF086  }
0x1c: {  	p1 =	slt.u32 s9, $0xF7A;
	s5 =	simm.s32 @!p2 $0x0  }
0x1d: {  	s5 =	simm.s32 @p1 $0x1;
	p0 =	seq.s32 s7, s2  }
0x1e: {  	s7 =	smul.u32 @!p0 $0xF7A, s2;
	p2 =	seq.s32 @!p0 s5, $0x0  }
0x1f: {  	s9 =	smul.u32 $0xF7A, s1;
	s8 =	simm.s32 @!p0 $0x1BF5;
	p2 =	por !p2, p0  }
0x20: {  	[sflag:s8] =	ssyncset.s32 @!p0 $0xFFFFF086;
	s6 =	sadd.s32 @!p0 s3, s7;
	s7 =	simm.s32 @!p0 $0x108  }
0x21: {  	s3 =	sadd.s32 s3, s9;
	s6 =	sadd.s32 @!p0 $0x88, s6;
	s7 =	simm.s32 @p2 $0x1082  }
0x22: {  	[simem:s7], [sflag:s8] =	dma.local @!p0 [hbm:s6], $0xF7A  }
0x23: {  	s9 =	sor.u32 $0xD0000000, s2;
	s6 =	simm.s32 $0x108;
	_ =	swait.ge @!p0 [sflag:s8], $0x0  }
0x24: {  	s3 =	sadd.s32 $0x88, s3;
	s6 =	simm.s32 @!p1 $0x1082;
	[sflag:s4] =	ssyncset.s32 $0xFFFFF086  }
0x25: {  	[simem:s6], [sflag:s4] =	dma.local [hbm:s3], $0xF7A  }
0x26: {  	[smem:$0x3F9B] =	sst s1;
	(tag) =	ssettag s2;
	_ =	strace s9  }
0x27: {  	s1 =	sld [smem:$0x3FAB]  }
0x28: {  	s2 =	sld [smem:$0x3FAC]  }
0x29: {  	s4 =	sld [smem:$0x3FAE]  }
0x2a: {  	p0 =	seq.s32 s5, $0x0;
	s5 =	sld [smem:$0x3FAF]  }
0x2b: {  	s6 =	sld [smem:$0x3FB0]  }
0x2c: {  	s7 =	sld [smem:$0x3FB1]  }
0x2d: {  	s3 =	simm.s32 $0x108;
	s8 =	sld [smem:$0x3FB2]  }
0x2e: {  	s3 =	simm.s32 @!p0 $0x1082;
	s9 =	sld [smem:$0x3FB3]  }
0x2f: {  	lr =	sadd.s32 s0, s3;
	s0 =	sld [smem:$0x3FAA]  }
0x30: {  	s3 =	sld [smem:$0x3FAD]  }
0x31: {  	[smem:$0x3FB6] =	sst s10  }
0x32: {  	s10 =	sld [smem:$0x3FB4];
	_ =	sdelay $0x3  }
0x33: {  	p0 =	seq.s32 s10, $0x1;
	s10 =	sld [smem:$0x3FB6];
	_ =	sdelay $0x3  }
0x34: {  	[smem:$0x3FB6] =	sst s10  }
0x35: {  	s10 =	sld [smem:$0x3FB5];
	_ =	sdelay $0x3  }
0x36: {  	p1 =	seq.s32 s10, $0x1;
	s10 =	sld [smem:$0x3FB6];
	_ =	sdelay $0x3  }
0x37: {  	[smem:$0x3FB6] =	sst s10  }
0x38: {  	s10 =	sld [smem:$0x3FB7]  }
0x39: {  	_ = 	snop;
	(pc) =	sbr.ind lr, $3  }
0x3a: {  	_ = 	snop  }
0x3b: {  	_ = 	snop  }
0x3c: {  	p2 =	seq.s32 s10, $0x1;
	s10 =	sld [smem:$0x3FB6]  }
0x3d: {  	_ =	shalt  }
0x3e: {  	_ =	shalt  }
0x3f: {  	_ =	shalt  }
0x40: {  	_ =	shalt  }
0x41: {  	_ =	shalt  }
0x42: {  	_ =	shalt  }
0x43: {  	_ =	shalt  }
0x44: {  	_ =	shalt  }
0x45: {  	_ =	shalt  }
0x46: {  	_ =	shalt  }
0x47: {  	_ =	shalt  }
0x48: {  	_ =	shalt  }
0x49: {  	_ =	shalt  }
0x4a: {  	_ =	shalt  }
0x4b: {  	_ =	shalt  }
0x4c: {  	_ =	shalt  }
0x4d: {  	_ =	shalt  }
0x4e: {  	_ =	shalt  }
0x4f: {  	_ =	shalt  }
0x50: {  	_ =	shalt  }
0x51: {  	_ =	shalt  }
0x52: {  	_ =	shalt  }
0x53: {  	_ =	shalt  }
0x54: {  	_ =	shalt  }
0x55: {  	_ =	shalt  }
0x56: {  	_ =	shalt  }
0x57: {  	_ =	shalt  }
0x58: {  	_ =	shalt  }
0x59: {  	_ =	shalt  }
0x5a: {  	_ =	shalt  }
0x5b: {  	_ =	shalt  }
0x5c: {  	_ =	shalt  }
0x5d: {  	_ =	shalt  }
0x5e: {  	_ =	shalt  }
0x5f: {  	_ =	shalt  }
0x60: {  	_ =	shalt  }
0x61: {  	_ =	shalt  }
0x62: {  	_ =	shalt  }
0x63: {  	_ =	shalt  }
0x64: {  	_ =	shalt  }
0x65: {  	_ =	shalt  }
0x66: {  	_ =	shalt  }
0x67: {  	_ =	shalt  }
0x68: {  	_ =	shalt  }
0x69: {  	_ =	shalt  }
0x6a: {  	_ =	shalt  }
0x6b: {  	_ =	shalt  }
0x6c: {  	_ =	shalt  }
0x6d: {  	_ =	shalt  }
0x6e: {  	_ =	shalt  }
0x6f: {  	_ =	shalt  }
0x70: {  	_ =	shalt  }
0x71: {  	_ =	shalt  }
0x72: {  	_ =	shalt  }
0x73: {  	_ =	shalt  }
0x74: {  	_ =	shalt  }
0x75: {  	_ =	shalt  }
0x76: {  	_ =	shalt  }
0x77: {  	_ =	shalt  }
0x78: {  	_ =	shalt  }
0x79: {  	_ =	shalt  }
0x7a: {  	_ =	shalt  }
0x7b: {  	_ =	shalt  }
0x7c: {  	_ =	shalt  }
0x7d: {  	_ =	shalt  }
0x7e: {  	_ =	shalt  }
0x7f: {  	_ =	shalt  }
0x80: {  	_ =	shalt  }
0x81: {  	_ =	shalt  }
0x82: {  	_ =	shalt  }
0x83: {  	_ =	shalt  }
0x84: {  	_ =	shalt  }
0x85: {  	_ =	shalt  }
0x86: {  	_ =	shalt  }
0x87: {  	_ =	shalt  }
.Lfunc_end0:
.L_simem_size_0:
called_computation_lowered:
.L_overlay_start_0:
0x88: {  	s2 =	sld [smem:$0x3FD9]  }
0x89: {  	s3 =	sld [smem:$0x3FFE];
	_ =	sdelay $0x1  }
0x8a: {  	s1 =	srdreg.scid  }
0x8b: {  	s0 =	sand.u32 $0x1, s1  }
0x8c: {  	s17 =	sshll.u32 s0, $0xA;
	s2 =	sadd.s32 s3, s2  }
0x8d: {  	s2 =	sadd.s32 s2, s17  }
0x8e: {  	[smem:$0x3FC2] =	sst s2  }
0x8f: {  	_ = 	snop  }
0x90: {  	s2 =	sld [smem:$0x3FD0];
	(tm) =	ssettm $0x1  }
0x91: {  	s18 =	sld [smem:$0x3FFB];
	_ =	sdelay $0x3  }
0x92: {  	_ =	strace s18  }
0x93: {  	s3 =	sld [smem:$0x3FFC];
	_ =	sdelay $0x3  }
0x94: {  	_ =	strace s3  }
0x95: {  	s3 =	sld [smem:$0x3FFD];
	_ =	sdelay $0x3  }
0x96: {  	_ =	strace s3  }
0x97: {  	_ =	strace $0x8FFFFFFF  }
0x98: {  	s19 =	sld [smem:$0x3FDB];
	_ =	sdelay $0x1  }
0x99: {  	s4 =	simm.s32 $_scs_section_size  }
0x9a: {  	s5 =	simm.s32 $_size__tile_overlayer_lowered;
	s6 =	simm.s32 $_tile_overlayer_lowered  }
0x9b: {  	s22 =	simm.s32 $0x1BFF;
	s21 =	sshll.u32 s6, $0x1;
	s3 =	sadd.s32 s4, s19  }
0x9c: {  	s7 =	simm.s32 $0x0;
	s20 =	sshll.u32 s5, $0x1;
	s5 =	sadd.s32 s21, s3  }
0x9d: {  	[timem:s7], [sflag:s22] =	dma.local [hbm:s5], s20  }
0x9e: {  	_ =	swait.ge [sflag:s22], s20  }
0x9f: {  	s4 =	ssub.s32 $0x0, s20;
	[sflag:s22] =	ssyncset.done $0x0  }
0xa0: {  	[sflag:s22] =	ssyncadd.s32 s4;
	_ =	sdelay $0x1  }
0xa1: {  	s23 =	simm.s32 $0x1B8B  }
0xa2: {  	_ =	swait.ge [sflag:s23], $0x1  }
0xa3: {  	[sflag:s23] =	ssyncset.done $0x0  }
0xa4: {  	s25 =	simm.s32 $0x1B8E;
	s24 =	sld [smem:$0x3FFE];
	[sflag:s23] =	ssyncadd.s32 $0xFFFFFFFF  }
0xa5: {  	s26 =	simm.s32 $execute0_lowered;
	[smem:$0x3FD2] =	sst s25  }
0xa6: {  	s5 =	sshll.u32 s26, $0x1;
	_ =	strace $0x80000046;
	[dreg:$0x1] =	wrdreg $0xFFFFFFFF  }
0xa7: {  	s28 =	simm.s32 $_size_execute0_lowered;
	s3 =	sadd.s32 s3, s5;
	[dreg:$0x0] =	wrdreg $0x0  }
0xa8: {  	s5 =	sshll.u32 s28, $0x1;
	[dreg:$0x2] =	wrdreg s3  }
0xa9: {  	[dreg:$0x3] =	wrdreg s5  }
0xaa: {  	[dreg:$0x4] =	wrdreg $0xC0  }
0xab: {  	_ =	task [dreg:s7], $0x5FFFF  }
0xac: {  	[dreg:$0x1] =	wrdreg $0xFFFFFFFF  }
0xad: {  	[dreg:$0x0] =	wrdreg $0x60  }
0xae: {  	[dreg:$0x2] =	wrdreg s24  }
0xaf: {  	[dreg:$0x3] =	wrdreg s2  }
0xb0: {  	[dreg:$0x4] =	wrdreg $0x54000  }
0xb1: {  	[dreg:$0x5] =	wrdreg $0x9  }
0xb2: {  	_ =	task.clear_ibuf [dreg:s7], $0x6FFFF;
	_ =	strace $0x90000046  }
0xb3: {  	s29 =	simm.s32 $0x9;
	_ =	strace $0x80000048  }
0xb4: {  	_ =	swait.ge [sflag:s29], $0x1  }
0xb5: {  	[sflag:s29] =	ssyncadd.s32 $0xFFFFFFFF  }
0xb6: {  	_ =	strace $0x90000048  }
0xb7: {  	_ =	sfence  }
0xb8: {  	s30 =	sld [smem:$0x0];
	_ =	sdelay $0x2  }
0xb9: {  	s31 =	sshll.u32 s1, $0xD;
	s1 =	sshrl.u32 s1, $0x2  }
0xba: {  	s3 =	sand.u32 $0x4000, s31;
	s1 =	sadd.s32 s1, s30  }
0xbb: {  	s0 =	sor.u32 s3, s0;
	s1 =	sshll.u32 s1, $0x11  }
0xbc: {  	s0 =	sor.u32 s1, s0  }
0xbd: {  	s0 =	sadd.s32 $0x8F2B, s0  }
0xbe: {  	[sflag:s0] =	ssyncadd.remote.s32 $0x1  }
0xbf: {  	_ =	sfence.sel $0xFFFF  }
0xc0: {  	[dreg:$0x0] =	wrdreg $0xFFFFFFFF;
	(pc) =	sbr.abs _section_cstart, $3  }
0xc1: {  	[dreg:$0x1] =	wrdreg $0xFFFFFFFF  }
0xc2: {  	_ =	task.clear_ibuf [dreg:s7], $0x2FFFF;
	_ =	strace $0x9FFFFFFF  }
0xc3: {  	(tm) =	ssettm $0x7FFFFFFF  }
tec
execute0_lowered:
.L_overlay_start_1:
0x0: {  	(tag) =	ssettag $0x1  }
0x1: {  	s8 =	rddreg [dreg:$0x0];
	s1 =	srdreg.scid  }
0x2: {  	s0 =	stileid.u32;
	s2 =	rddreg [dreg:$0x1]  }
0x3: {  	s3 =	rddreg [dreg:$0x2];
	s4 =	simm.s32 $0x0;
	s7 =	sand.u32 $0x1, s1  }
0x4: {  	s29 =	sshll.u32 s0, $0x1;
	s1 =	rddreg [dreg:$0x3];
	s13 =	smul.u32 $0x2780, s0  }
0x5: {  	[smem:$0x7FF] =	sst s4;
	s9 =	smul.u32 $0x4F000, s0;
	s14 =	sadd.s32 $0x56200, s8  }
0x6: {  	s31 =	sshll.u32 s0, $0x6;
	s5 =	sor.u32 s7, s29;
	_ =	strace $0x80000047  }
0x7: {  	s6 =	ssub.s32 $0x2, s7;
	p0 =	seq.s32 s7, $0x1;
	s5 =	smul.u32 $0x280, s5  }
0x8: {  	s10 =	sadd.s32 s13, s8;
	s11 =	sshrl.u32 s6, $0x1;
	s30 =	sshrl.u32 s9, $0x2  }
0x9: {  	s9 =	simm.s32 $0x1;
	s14 =	sadd.s32 @p0 s13, s14;
	s13 =	simm.s32 $0x80  }
0xa: {  	s11 =	ssub.s32 s6, s11;
	s12 =	sadd.s32 s30, s3;
	s6 =	sadd.s32 $0x7200, s10  }
0xb: {  	s7 =	sadd.s32 $0x2EA00, s10;
	s10 =	simm.s32 $0x1400;
	s5 =	sadd.s32 s5, s8  }
0xc: {  	s8 =	smax.u32 s11, $0x1;
	s11 =	sor.u32 $0x1C01, s31;
	s12 =	sshrl.u32 s12, $0x3  }
0xd: {  	s7 =	smov.u32 @p0 s14;
	s14 =	simm.s32 $0x0;
	s5 =	sadd.s32 $0x2200, s5  }
.LBB2_1:
0xe: {  	[tilespmem:s4], [sflag:$0x1] =	stream.linear.gather [hbm4b:s5+s4], $0x1400, $0x38;
	[tilespmem:$0x67C0] =	vst v63  }
0xf: {  	_ =	swait.ge [sflag:s9], $0x1400  }
0x10: {  	[sflag:s9] =	ssyncset.done $0x0  }
0x11: {  	[sflag:s9] =	ssyncadd.s32 $0xFFFFEC00  }
0x12: {  	[tilespmem:s10], [sflag:$0x1] =	stream.linear.gather [hbm4b:s2+s4], $0x4000, $0x38;
	[tilespmem:$0x67C0] =	vst v63  }
0x13: {  	_ =	swait.ge [sflag:s9], $0x4000  }
0x14: {  	[sflag:s9] =	ssyncset.done $0x0  }
0x15: {  	[sflag:s9] =	ssyncadd.s32 $0xFFFFC000  }
0x16: {  	[spmem:s12], [sflag:s11] =	dma.local [hbm:s6], $0x2780  }
0x17: {  	_ =	swait.ge [sflag:s9], $0x2780  }
0x18: {  	[sflag:s9] =	ssyncset.done $0x0  }
0x19: {  	[sflag:s9] =	ssyncadd.s32 $0xFFFFD880  }
0x1a: {  	s15 =	simm.s32 $0x0;
	[bflag:$0x0] =	sbarrier.arrive $0xFFFF  }
0x1b: {  	[spmem:s3] =	stream.indirect.scatter.add.f32 [tilespmem:s10], [sflag:$0x1], $0x8, s15, s13, $0xb8;
	[tilespmem:$0x67C0] =	vst v63  }
0x1c: {  	_ =	swait.ge [sflag:s9], $0x400  }
0x1d: {  	s15 =	simm.s32 $0x200;
	[sflag:s9] =	ssyncset.done $0x0  }
.LBB2_2:
0x1e: {  	s16 =	sshra.s32 s15, $0x2;
	[sflag:s9] =	ssyncadd.s32 $0xFFFFFC00;
	p0 =	sne.s32 s15, $0x4E00  }
0x1f: {  	[spmem:s3] =	stream.indirect.scatter.add.f32 [tilespmem:s10], [sflag:$0x1], $0x8, s16, s13, $0xb8;
	[tilespmem:$0x67C0] =	vst v63  }
.Ltmp0:
0x20: {  	_ = 	snop;
	(pc) =	sbr.rel @p0 .LBB2_2-.Ltmp0, $4  }
0x21: {  	_ = 	snop  }
0x22: {  	s15 =	sadd.s32 $0x200, s15  }
0x23: {  	_ =	swait.ge [sflag:s9], $0x400  }
0x24: {  	[sflag:s9] =	ssyncset.done $0x0  }
0x25: {  	s14 =	sadd.s32 $0x1, s14  }
0x26: {  	[sflag:s9] =	ssyncadd.s32 $0xFFFFFC00;
	p0 =	sne.s32 s14, s8  }
.Ltmp1:
0x27: {  	[bflag:$0x0] =	sbarrier.arrive $0xFFFF;
	(pc) =	sbr.rel @p0 .LBB2_1-.Ltmp1, $4  }
0x28: {  	[hbm:s7], [sflag:s11] =	dma.local [spmem:s12], $0x2780  }
0x29: {  	_ =	swait.ge [sflag:s9], $0x2780  }
0x2a: {  	[sflag:s9] =	ssyncset.done $0x0  }
0x2b: {  	[sflag:s9] =	ssyncadd.s32 $0xFFFFD880  }
0x2c: {  	_ =	sfence.sel $0x180000  }
0x2d: {  	[bflag:$0x0] =	sbarrier.arrive $0xFFFF  }
0x2e: {  	p0 =	sne.s32 s0, $0x0;
	_ =	strace $0x90000047  }
0x2f: {  	s0 =	sadd.s32 @!p0 $0x100000, s1;
	[bflag:$0x2] =	sbarrier.arrive $0xFFFF  }
0x30: {  	[sflag:s0] =	ssyncadd.tile.s32 @!p0 $0x1;
	_ =	shalt  }
.Lfunc_end2:
_tile_overlayer_lowered:
.L_overlay_start_2:
0x31: {  	(tag) =	ssettag $0x2  }
0x32: {  	s0 =	rddreg [dreg:$0x0];
	s2 =	stileid.u32  }
0x33: {  	s1 =	rddreg [dreg:$0x1];
	p0 =	sne.s32 s2, $0x0  }
0x34: {  	s3 =	rddreg [dreg:$0x2];
	[bflag:$0x3] =	sbarrier.arrive $0xFFFF;
	s2 =	simm.s32 @!p0 $0x1C01  }
0x35: {  	[timem:s3], [sflag:s2] =	dma.local @!p0 [hbm:s0], s1  }
0x36: {  	s0 =	simm.s32 @!p0 $0x1  }
0x37: {  	_ =	swait.ge @!p0 [sflag:s0], s1  }
0x38: {  	s1 =	ssub.s32 @!p0 $0x0, s1;
	[sflag:s0] =	ssyncset.done @!p0 $0x0  }
0x39: {  	[sflag:s0] =	ssyncadd.s32 @!p0 s1  }
0x3a: {  	[bflag:$0x3] =	sbarrier.arrive $0xFFFF  }
0x3b: {  	_ =	shalt  }

</sc_bundles>
